<compile_context>
chip_gen: v7x
topology: tpu7x:2x2x1
jax: 0.10.2.dev20260603
libtpu: 0.0.44.dev20260713+nightly
codegen_flags: <defaults>
</compile_context>

<pallas_src>
import functools

import jax
import jax.numpy as jnp
from jax import lax
from jax.experimental import pallas as pl
from jax.experimental.pallas import tpu as pltpu
from jax.experimental.pallas import tpu_sc as plsc

_VOCAB_BLK = 2944


def _sc_gather_t(idx, table_t):
    E, V = table_t.shape
    B, = idx.shape
    info = plsc.get_sparse_core_info()
    NC, NS = info.num_cores, info.num_subcores
    NW = NC * NS
    b_per_w = B // NW

    @functools.partial(
        pl.kernel,
        out_type=jax.ShapeDtypeStruct((E + 1, B), jnp.float32),
        mesh=plsc.VectorSubcoreMesh(core_axis_name="c", subcore_axis_name="s"),
        scratch_types=[
            pltpu.VMEM((b_per_w,), jnp.int32),
            pltpu.VMEM((E + 1, b_per_w), jnp.float32),
            pltpu.SemaphoreType.DMA,
        ],
        compiler_params=pltpu.CompilerParams(use_tc_tiling_on_sc=False),
    )
    def gather_kernel(idx_hbm, table_hbm, out_hbm, idx_v, xt_v, sem):
        wid = lax.axis_index("s") * NC + lax.axis_index("c")
        base = wid * b_per_w
        pltpu.sync_copy(idx_hbm.at[pl.ds(base, b_per_w)], idx_v)
        copies = [
            pltpu.async_copy(table_hbm.at[e].at[idx_v], xt_v.at[e], sem)
            for e in range(E)
        ]
        for j in range(b_per_w // 16):
            xt_v[E, pl.ds(j * 16, 16)] = jnp.ones((16,), jnp.float32)
        for c in copies:
            c.wait()
        pltpu.sync_copy(xt_v, out_hbm.at[:, pl.ds(base, b_per_w)])

    return gather_kernel(idx, table_t)


def _mm_body(x_ref, wt_ref, b_ref, o_ref):
    wt_aug = jnp.concatenate([wt_ref[...], b_ref[...]], axis=0)
    o_ref[...] = lax.dot_general(
        wt_aug, x_ref[...],
        (((0,), (0,)), ((), ())),
        preferred_element_type=jnp.float32,
    )


def _tc_project(x_t, lin_w, lin_b):
    E1, B = x_t.shape
    V = lin_w.shape[0]
    grid = pl.cdiv(V, _VOCAB_BLK)
    out_t = pl.pallas_call(
        _mm_body,
        grid=(grid,),
        in_specs=[
            pl.BlockSpec((E1, B), lambda j: (0, 0)),
            pl.BlockSpec((E1 - 1, _VOCAB_BLK), lambda j: (0, j)),
            pl.BlockSpec((1, _VOCAB_BLK), lambda j: (0, j)),
        ],
        out_specs=pl.BlockSpec((_VOCAB_BLK, B), lambda j: (j, 0)),
        out_shape=jax.ShapeDtypeStruct((V, B), jnp.float32),
    )(x_t, lin_w.T, lin_b.reshape(1, V))
    return out_t.T


def kernel(inputs_, emb_table, lin_w, lin_b):
    x_aug_t = _sc_gather_t(inputs_.astype(jnp.int32), emb_table.T)
    return _tc_project(x_aug_t, lin_w, lin_b)

# --- scband reference (transcript-rebuilt; emitter-appended) ---
"""Pipeline reference for scband-skip-gram-4303557231432 (READ-ONLY COPY).

The authoritative reference and input builder live on the scoring server;
editing this copy changes nothing except your own understanding.
"""

import jax, jax.numpy as jnp
import numpy as np

VOCAB = 100000
EMBED = 16
BATCH = 1024

def setup_inputs(seed: int = 0) -> dict:
    key = jax.random.key(seed)
    k_idx, k_emb, k_w, k_b = jax.random.split(key, 4)
    inputs_ = jax.random.randint(k_idx, (BATCH,), 0, VOCAB, dtype=jnp.int64 if jax.config.jax_enable_x64 else jnp.int32)
    emb_table = jax.random.normal(k_emb, (VOCAB, EMBED), dtype=jnp.float32) * 0.02
    # torch nn.Linear: weight [out_features, in_features], bias [out_features]
    lin_w = jax.random.normal(k_w, (VOCAB, EMBED), dtype=jnp.float32) * (1.0 / np.sqrt(EMBED))
    lin_b = jax.random.normal(k_b, (VOCAB,), dtype=jnp.float32) * 0.01
    return {"inputs_": inputs_, "emb_table": emb_table, "lin_w": lin_w, "lin_b": lin_b}

def reference(inputs_, emb_table, lin_w, lin_b):
    # nn.Embedding with max_norm=None: plain row gather
    x = jnp.take(emb_table, inputs_, axis=0)            # [B, EMBED]
    # nn.Linear: x @ W^T + b
    logits = x @ lin_w.T + lin_b                        # [B, VOCAB]
    return logits

if __name__ == "__main__":
    import jax
    _d = setup_inputs()
    print(jax.jit(kernel)(*tuple(_d.values())))

</pallas_src>

<mosaic_0001>
#map = affine_map<(d0, d1) -> (0)>
#map1 = affine_map<(d0, d1) -> (0, 0)>
module attributes {stable_mosaic.version = 14 : i64} {
  func.func @gather_kernel(%arg0: i32, %arg1: i32, %arg2: memref<1024xi32, #tpu.memory_space<hbm>>, %arg3: memref<16x100000xf32, #tpu.memory_space<hbm>>, %arg4: memref<17x1024xf32, #tpu.memory_space<hbm>>, %arg5: memref<32xi32, #tpu.memory_space<vmem>>, %arg6: memref<17x32xf32, #tpu.memory_space<vmem>>, %arg7: memref<!tpu.dma_semaphore, #tpu.memory_space<semaphore_mem>>) attributes {dimension_semantics = [#tpu.dimension_semantics<core_parallel>, #tpu.dimension_semantics<subcore_parallel>], iteration_bounds = array<i64: 2, 16>, scalar_prefetch = 0 : i64, scratch_operands = 3 : i64, tpu.core_type = #tpu.core_type<sc_vector_subcore>, window_params = [{transform_indices = #map}, {transform_indices = #map1}, {transform_indices = #map1}]} {
    %mul3A = arith.constant 2 : i32
    %mul3A_0 = arith.muli %arg1, %mul3A : i32
    %add3A = arith.addi %mul3A_0, %arg0 : i32
    %mul3A_1 = arith.constant 32 : i32
    %mul3A_2 = arith.muli %add3A, %mul3A_1 : i32
    "tpu.region"() ({
      %run_scoped3A = tpu.sem_alloc : memref<!tpu.dma_semaphore, #tpu.memory_space<semaphore_mem>>
      %dma_start3A_335 = tpu.memref_slice %arg2[%mul3A_2] : memref<1024xi32, #tpu.memory_space<hbm>> -> memref<32xi32, #tpu.memory_space<hbm>>
      %dma_start3A_336 = tpu.memref_slice %arg2[%mul3A_2] : memref<1024xi32, #tpu.memory_space<hbm>> -> memref<32xi32, #tpu.memory_space<hbm>>
      tpu.enqueue_dma source(%dma_start3A_336 : memref<32xi32, #tpu.memory_space<hbm>>) target(%arg5 : memref<32xi32, #tpu.memory_space<vmem>>) target_semaphore(%run_scoped3A : memref<!tpu.dma_semaphore, #tpu.memory_space<semaphore_mem>>)
      %dma_wait3A_337 = tpu.memref_slice %arg2[%mul3A_2] : memref<1024xi32, #tpu.memory_space<hbm>> -> memref<32xi32, #tpu.memory_space<hbm>>
      %dma_wait3A_338 = tpu.memref_slice %arg2[%mul3A_2] : memref<1024xi32, #tpu.memory_space<hbm>> -> memref<32xi32, #tpu.memory_space<hbm>>
      tpu.wait_dma2 semaphore(%run_scoped3A : memref<!tpu.dma_semaphore, #tpu.memory_space<semaphore_mem>>) src(%dma_wait3A_338 : memref<32xi32, #tpu.memory_space<hbm>>) dst(%arg5 : memref<32xi32, #tpu.memory_space<vmem>>)
      tpu.yield
    }) : () -> ()
    %dma_start3A = arith.constant 0 : i32
    %dma_start3A_3 = arith.constant 0 : i32
    %dma_start3A_4 = arith.constant 0 : i32
    %dma_start3A_5 = tpu.memref_slice %arg6[%dma_start3A_3, %dma_start3A_4] : memref<17x32xf32, #tpu.memory_space<vmem>> -> memref<1x32xf32, #tpu.memory_space<vmem>>
    %dma_start3A_6 = tpu.memref_squeeze %dma_start3A_5 : memref<1x32xf32, #tpu.memory_space<vmem>> -> memref<32xf32, #tpu.memory_space<vmem>>
    %dma_start3A_7 = arith.constant 0 : i32
    %dma_start3A_8 = tpu.memref_slice %arg3[%dma_start3A, %dma_start3A_7] : memref<16x100000xf32, #tpu.memory_space<hbm>> -> memref<1x100000xf32, #tpu.memory_space<hbm>>
    %dma_start3A_9 = tpu.memref_squeeze %dma_start3A_8 : memref<1x100000xf32, #tpu.memory_space<hbm>> -> memref<100000xf32, #tpu.memory_space<hbm>>
    %dma_start3A_10 = arith.constant 0 : i32
    %dma_start3A_11 = tpu.memref_slice %dma_start3A_9[%dma_start3A_10] : memref<100000xf32, #tpu.memory_space<hbm>> -> memref<100000xf32, #tpu.memory_space<hbm>>
    tpu.enqueue_indirect_dma source(%dma_start3A_11 : memref<100000xf32, #tpu.memory_space<hbm>>) target(%dma_start3A_6 : memref<32xf32, #tpu.memory_space<vmem>>) offsets(%arg5 : memref<32xi32, #tpu.memory_space<vmem>>) semaphore(%arg7 : memref<!tpu.dma_semaphore, #tpu.memory_space<semaphore_mem>>)
    %dma_start3A_12 = arith.constant 1 : i32
    %dma_start3A_13 = arith.constant 1 : i32
    %dma_start3A_14 = arith.constant 0 : i32
    %dma_start3A_15 = tpu.memref_slice %arg6[%dma_start3A_13, %dma_start3A_14] : memref<17x32xf32, #tpu.memory_space<vmem>> -> memref<1x32xf32, #tpu.memory_space<vmem>>
    %dma_start3A_16 = tpu.memref_squeeze %dma_start3A_15 : memref<1x32xf32, #tpu.memory_space<vmem>> -> memref<32xf32, #tpu.memory_space<vmem>>
    %dma_start3A_17 = arith.constant 0 : i32
    %dma_start3A_18 = tpu.memref_slice %arg3[%dma_start3A_12, %dma_start3A_17] : memref<16x100000xf32, #tpu.memory_space<hbm>> -> memref<1x100000xf32, #tpu.memory_space<hbm>>
    %dma_start3A_19 = tpu.memref_squeeze %dma_start3A_18 : memref<1x100000xf32, #tpu.memory_space<hbm>> -> memref<100000xf32, #tpu.memory_space<hbm>>
    %dma_start3A_20 = arith.constant 0 : i32
    %dma_start3A_21 = tpu.memref_slice %dma_start3A_19[%dma_start3A_20] : memref<100000xf32, #tpu.memory_space<hbm>> -> memref<100000xf32, #tpu.memory_space<hbm>>
    tpu.enqueue_indirect_dma source(%dma_start3A_21 : memref<100000xf32, #tpu.memory_space<hbm>>) target(%dma_start3A_16 : memref<32xf32, #tpu.memory_space<vmem>>) offsets(%arg5 : memref<32xi32, #tpu.memory_space<vmem>>) semaphore(%arg7 : memref<!tpu.dma_semaphore, #tpu.memory_space<semaphore_mem>>)
    %dma_start3A_22 = arith.constant 2 : i32
    %dma_start3A_23 = arith.constant 2 : i32
    %dma_start3A_24 = arith.constant 0 : i32
    %dma_start3A_25 = tpu.memref_slice %arg6[%dma_start3A_23, %dma_start3A_24] : memref<17x32xf32, #tpu.memory_space<vmem>> -> memref<1x32xf32, #tpu.memory_space<vmem>>
    %dma_start3A_26 = tpu.memref_squeeze %dma_start3A_25 : memref<1x32xf32, #tpu.memory_space<vmem>> -> memref<32xf32, #tpu.memory_space<vmem>>
    %dma_start3A_27 = arith.constant 0 : i32
    %dma_start3A_28 = tpu.memref_slice %arg3[%dma_start3A_22, %dma_start3A_27] : memref<16x100000xf32, #tpu.memory_space<hbm>> -> memref<1x100000xf32, #tpu.memory_space<hbm>>
    %dma_start3A_29 = tpu.memref_squeeze %dma_start3A_28 : memref<1x100000xf32, #tpu.memory_space<hbm>> -> memref<100000xf32, #tpu.memory_space<hbm>>
    %dma_start3A_30 = arith.constant 0 : i32
    %dma_start3A_31 = tpu.memref_slice %dma_start3A_29[%dma_start3A_30] : memref<100000xf32, #tpu.memory_space<hbm>> -> memref<100000xf32, #tpu.memory_space<hbm>>
    tpu.enqueue_indirect_dma source(%dma_start3A_31 : memref<100000xf32, #tpu.memory_space<hbm>>) target(%dma_start3A_26 : memref<32xf32, #tpu.memory_space<vmem>>) offsets(%arg5 : memref<32xi32, #tpu.memory_space<vmem>>) semaphore(%arg7 : memref<!tpu.dma_semaphore, #tpu.memory_space<semaphore_mem>>)
    %dma_start3A_32 = arith.constant 3 : i32
    %dma_start3A_33 = arith.constant 3 : i32
    %dma_start3A_34 = arith.constant 0 : i32
    %dma_start3A_35 = tpu.memref_slice %arg6[%dma_start3A_33, %dma_start3A_34] : memref<17x32xf32, #tpu.memory_space<vmem>> -> memref<1x32xf32, #tpu.memory_space<vmem>>
    %dma_start3A_36 = tpu.memref_squeeze %dma_start3A_35 : memref<1x32xf32, #tpu.memory_space<vmem>> -> memref<32xf32, #tpu.memory_space<vmem>>
    %dma_start3A_37 = arith.constant 0 : i32
    %dma_start3A_38 = tpu.memref_slice %arg3[%dma_start3A_32, %dma_start3A_37] : memref<16x100000xf32, #tpu.memory_space<hbm>> -> memref<1x100000xf32, #tpu.memory_space<hbm>>
    %dma_start3A_39 = tpu.memref_squeeze %dma_start3A_38 : memref<1x100000xf32, #tpu.memory_space<hbm>> -> memref<100000xf32, #tpu.memory_space<hbm>>
    %dma_start3A_40 = arith.constant 0 : i32
    %dma_start3A_41 = tpu.memref_slice %dma_start3A_39[%dma_start3A_40] : memref<100000xf32, #tpu.memory_space<hbm>> -> memref<100000xf32, #tpu.memory_space<hbm>>
    tpu.enqueue_indirect_dma source(%dma_start3A_41 : memref<100000xf32, #tpu.memory_space<hbm>>) target(%dma_start3A_36 : memref<32xf32, #tpu.memory_space<vmem>>) offsets(%arg5 : memref<32xi32, #tpu.memory_space<vmem>>) semaphore(%arg7 : memref<!tpu.dma_semaphore, #tpu.memory_space<semaphore_mem>>)
    %dma_start3A_42 = arith.constant 4 : i32
    %dma_start3A_43 = arith.constant 4 : i32
    %dma_start3A_44 = arith.constant 0 : i32
    %dma_start3A_45 = tpu.memref_slice %arg6[%dma_start3A_43, %dma_start3A_44] : memref<17x32xf32, #tpu.memory_space<vmem>> -> memref<1x32xf32, #tpu.memory_space<vmem>>
    %dma_start3A_46 = tpu.memref_squeeze %dma_start3A_45 : memref<1x32xf32, #tpu.memory_space<vmem>> -> memref<32xf32, #tpu.memory_space<vmem>>
    %dma_start3A_47 = arith.constant 0 : i32
    %dma_start3A_48 = tpu.memref_slice %arg3[%dma_start3A_42, %dma_start3A_47] : memref<16x100000xf32, #tpu.memory_space<hbm>> -> memref<1x100000xf32, #tpu.memory_space<hbm>>
    %dma_start3A_49 = tpu.memref_squeeze %dma_start3A_48 : memref<1x100000xf32, #tpu.memory_space<hbm>> -> memref<100000xf32, #tpu.memory_space<hbm>>
    %dma_start3A_50 = arith.constant 0 : i32
    %dma_start3A_51 = tpu.memref_slice %dma_start3A_49[%dma_start3A_50] : memref<100000xf32, #tpu.memory_space<hbm>> -> memref<100000xf32, #tpu.memory_space<hbm>>
    tpu.enqueue_indirect_dma source(%dma_start3A_51 : memref<100000xf32, #tpu.memory_space<hbm>>) target(%dma_start3A_46 : memref<32xf32, #tpu.memory_space<vmem>>) offsets(%arg5 : memref<32xi32, #tpu.memory_space<vmem>>) semaphore(%arg7 : memref<!tpu.dma_semaphore, #tpu.memory_space<semaphore_mem>>)
    %dma_start3A_52 = arith.constant 5 : i32
    %dma_start3A_53 = arith.constant 5 : i32
    %dma_start3A_54 = arith.constant 0 : i32
    %dma_start3A_55 = tpu.memref_slice %arg6[%dma_start3A_53, %dma_start3A_54] : memref<17x32xf32, #tpu.memory_space<vmem>> -> memref<1x32xf32, #tpu.memory_space<vmem>>
    %dma_start3A_56 = tpu.memref_squeeze %dma_start3A_55 : memref<1x32xf32, #tpu.memory_space<vmem>> -> memref<32xf32, #tpu.memory_space<vmem>>
    %dma_start3A_57 = arith.constant 0 : i32
    %dma_start3A_58 = tpu.memref_slice %arg3[%dma_start3A_52, %dma_start3A_57] : memref<16x100000xf32, #tpu.memory_space<hbm>> -> memref<1x100000xf32, #tpu.memory_space<hbm>>
    %dma_start3A_59 = tpu.memref_squeeze %dma_start3A_58 : memref<1x100000xf32, #tpu.memory_space<hbm>> -> memref<100000xf32, #tpu.memory_space<hbm>>
    %dma_start3A_60 = arith.constant 0 : i32
    %dma_start3A_61 = tpu.memref_slice %dma_start3A_59[%dma_start3A_60] : memref<100000xf32, #tpu.memory_space<hbm>> -> memref<100000xf32, #tpu.memory_space<hbm>>
    tpu.enqueue_indirect_dma source(%dma_start3A_61 : memref<100000xf32, #tpu.memory_space<hbm>>) target(%dma_start3A_56 : memref<32xf32, #tpu.memory_space<vmem>>) offsets(%arg5 : memref<32xi32, #tpu.memory_space<vmem>>) semaphore(%arg7 : memref<!tpu.dma_semaphore, #tpu.memory_space<semaphore_mem>>)
    %dma_start3A_62 = arith.constant 6 : i32
    %dma_start3A_63 = arith.constant 6 : i32
    %dma_start3A_64 = arith.constant 0 : i32
    %dma_start3A_65 = tpu.memref_slice %arg6[%dma_start3A_63, %dma_start3A_64] : memref<17x32xf32, #tpu.memory_space<vmem>> -> memref<1x32xf32, #tpu.memory_space<vmem>>
    %dma_start3A_66 = tpu.memref_squeeze %dma_start3A_65 : memref<1x32xf32, #tpu.memory_space<vmem>> -> memref<32xf32, #tpu.memory_space<vmem>>
    %dma_start3A_67 = arith.constant 0 : i32
    %dma_start3A_68 = tpu.memref_slice %arg3[%dma_start3A_62, %dma_start3A_67] : memref<16x100000xf32, #tpu.memory_space<hbm>> -> memref<1x100000xf32, #tpu.memory_space<hbm>>
    %dma_start3A_69 = tpu.memref_squeeze %dma_start3A_68 : memref<1x100000xf32, #tpu.memory_space<hbm>> -> memref<100000xf32, #tpu.memory_space<hbm>>
    %dma_start3A_70 = arith.constant 0 : i32
    %dma_start3A_71 = tpu.memref_slice %dma_start3A_69[%dma_start3A_70] : memref<100000xf32, #tpu.memory_space<hbm>> -> memref<100000xf32, #tpu.memory_space<hbm>>
    tpu.enqueue_indirect_dma source(%dma_start3A_71 : memref<100000xf32, #tpu.memory_space<hbm>>) target(%dma_start3A_66 : memref<32xf32, #tpu.memory_space<vmem>>) offsets(%arg5 : memref<32xi32, #tpu.memory_space<vmem>>) semaphore(%arg7 : memref<!tpu.dma_semaphore, #tpu.memory_space<semaphore_mem>>)
    %dma_start3A_72 = arith.constant 7 : i32
    %dma_start3A_73 = arith.constant 7 : i32
    %dma_start3A_74 = arith.constant 0 : i32
    %dma_start3A_75 = tpu.memref_slice %arg6[%dma_start3A_73, %dma_start3A_74] : memref<17x32xf32, #tpu.memory_space<vmem>> -> memref<1x32xf32, #tpu.memory_space<vmem>>
    %dma_start3A_76 = tpu.memref_squeeze %dma_start3A_75 : memref<1x32xf32, #tpu.memory_space<vmem>> -> memref<32xf32, #tpu.memory_space<vmem>>
    %dma_start3A_77 = arith.constant 0 : i32
    %dma_start3A_78 = tpu.memref_slice %arg3[%dma_start3A_72, %dma_start3A_77] : memref<16x100000xf32, #tpu.memory_space<hbm>> -> memref<1x100000xf32, #tpu.memory_space<hbm>>
    %dma_start3A_79 = tpu.memref_squeeze %dma_start3A_78 : memref<1x100000xf32, #tpu.memory_space<hbm>> -> memref<100000xf32, #tpu.memory_space<hbm>>
    %dma_start3A_80 = arith.constant 0 : i32
    %dma_start3A_81 = tpu.memref_slice %dma_start3A_79[%dma_start3A_80] : memref<100000xf32, #tpu.memory_space<hbm>> -> memref<100000xf32, #tpu.memory_space<hbm>>
    tpu.enqueue_indirect_dma source(%dma_start3A_81 : memref<100000xf32, #tpu.memory_space<hbm>>) target(%dma_start3A_76 : memref<32xf32, #tpu.memory_space<vmem>>) offsets(%arg5 : memref<32xi32, #tpu.memory_space<vmem>>) semaphore(%arg7 : memref<!tpu.dma_semaphore, #tpu.memory_space<semaphore_mem>>)
    %dma_start3A_82 = arith.constant 8 : i32
    %dma_start3A_83 = arith.constant 8 : i32
    %dma_start3A_84 = arith.constant 0 : i32
    %dma_start3A_85 = tpu.memref_slice %arg6[%dma_start3A_83, %dma_start3A_84] : memref<17x32xf32, #tpu.memory_space<vmem>> -> memref<1x32xf32, #tpu.memory_space<vmem>>
    %dma_start3A_86 = tpu.memref_squeeze %dma_start3A_85 : memref<1x32xf32, #tpu.memory_space<vmem>> -> memref<32xf32, #tpu.memory_space<vmem>>
    %dma_start3A_87 = arith.constant 0 : i32
    %dma_start3A_88 = tpu.memref_slice %arg3[%dma_start3A_82, %dma_start3A_87] : memref<16x100000xf32, #tpu.memory_space<hbm>> -> memref<1x100000xf32, #tpu.memory_space<hbm>>
    %dma_start3A_89 = tpu.memref_squeeze %dma_start3A_88 : memref<1x100000xf32, #tpu.memory_space<hbm>> -> memref<100000xf32, #tpu.memory_space<hbm>>
    %dma_start3A_90 = arith.constant 0 : i32
    %dma_start3A_91 = tpu.memref_slice %dma_start3A_89[%dma_start3A_90] : memref<100000xf32, #tpu.memory_space<hbm>> -> memref<100000xf32, #tpu.memory_space<hbm>>
    tpu.enqueue_indirect_dma source(%dma_start3A_91 : memref<100000xf32, #tpu.memory_space<hbm>>) target(%dma_start3A_86 : memref<32xf32, #tpu.memory_space<vmem>>) offsets(%arg5 : memref<32xi32, #tpu.memory_space<vmem>>) semaphore(%arg7 : memref<!tpu.dma_semaphore, #tpu.memory_space<semaphore_mem>>)
    %dma_start3A_92 = arith.constant 9 : i32
    %dma_start3A_93 = arith.constant 9 : i32
    %dma_start3A_94 = arith.constant 0 : i32
    %dma_start3A_95 = tpu.memref_slice %arg6[%dma_start3A_93, %dma_start3A_94] : memref<17x32xf32, #tpu.memory_space<vmem>> -> memref<1x32xf32, #tpu.memory_space<vmem>>
    %dma_start3A_96 = tpu.memref_squeeze %dma_start3A_95 : memref<1x32xf32, #tpu.memory_space<vmem>> -> memref<32xf32, #tpu.memory_space<vmem>>
    %dma_start3A_97 = arith.constant 0 : i32
    %dma_start3A_98 = tpu.memref_slice %arg3[%dma_start3A_92, %dma_start3A_97] : memref<16x100000xf32, #tpu.memory_space<hbm>> -> memref<1x100000xf32, #tpu.memory_space<hbm>>
    %dma_start3A_99 = tpu.memref_squeeze %dma_start3A_98 : memref<1x100000xf32, #tpu.memory_space<hbm>> -> memref<100000xf32, #tpu.memory_space<hbm>>
    %dma_start3A_100 = arith.constant 0 : i32
    %dma_start3A_101 = tpu.memref_slice %dma_start3A_99[%dma_start3A_100] : memref<100000xf32, #tpu.memory_space<hbm>> -> memref<100000xf32, #tpu.memory_space<hbm>>
    tpu.enqueue_indirect_dma source(%dma_start3A_101 : memref<100000xf32, #tpu.memory_space<hbm>>) target(%dma_start3A_96 : memref<32xf32, #tpu.memory_space<vmem>>) offsets(%arg5 : memref<32xi32, #tpu.memory_space<vmem>>) semaphore(%arg7 : memref<!tpu.dma_semaphore, #tpu.memory_space<semaphore_mem>>)
    %dma_start3A_102 = arith.constant 10 : i32
    %dma_start3A_103 = arith.constant 10 : i32
    %dma_start3A_104 = arith.constant 0 : i32
    %dma_start3A_105 = tpu.memref_slice %arg6[%dma_start3A_103, %dma_start3A_104] : memref<17x32xf32, #tpu.memory_space<vmem>> -> memref<1x32xf32, #tpu.memory_space<vmem>>
    %dma_start3A_106 = tpu.memref_squeeze %dma_start3A_105 : memref<1x32xf32, #tpu.memory_space<vmem>> -> memref<32xf32, #tpu.memory_space<vmem>>
    %dma_start3A_107 = arith.constant 0 : i32
    %dma_start3A_108 = tpu.memref_slice %arg3[%dma_start3A_102, %dma_start3A_107] : memref<16x100000xf32, #tpu.memory_space<hbm>> -> memref<1x100000xf32, #tpu.memory_space<hbm>>
    %dma_start3A_109 = tpu.memref_squeeze %dma_start3A_108 : memref<1x100000xf32, #tpu.memory_space<hbm>> -> memref<100000xf32, #tpu.memory_space<hbm>>
    %dma_start3A_110 = arith.constant 0 : i32
    %dma_start3A_111 = tpu.memref_slice %dma_start3A_109[%dma_start3A_110] : memref<100000xf32, #tpu.memory_space<hbm>> -> memref<100000xf32, #tpu.memory_space<hbm>>
    tpu.enqueue_indirect_dma source(%dma_start3A_111 : memref<100000xf32, #tpu.memory_space<hbm>>) target(%dma_start3A_106 : memref<32xf32, #tpu.memory_space<vmem>>) offsets(%arg5 : memref<32xi32, #tpu.memory_space<vmem>>) semaphore(%arg7 : memref<!tpu.dma_semaphore, #tpu.memory_space<semaphore_mem>>)
    %dma_start3A_112 = arith.constant 11 : i32
    %dma_start3A_113 = arith.constant 11 : i32
    %dma_start3A_114 = arith.constant 0 : i32
    %dma_start3A_115 = tpu.memref_slice %arg6[%dma_start3A_113, %dma_start3A_114] : memref<17x32xf32, #tpu.memory_space<vmem>> -> memref<1x32xf32, #tpu.memory_space<vmem>>
    %dma_start3A_116 = tpu.memref_squeeze %dma_start3A_115 : memref<1x32xf32, #tpu.memory_space<vmem>> -> memref<32xf32, #tpu.memory_space<vmem>>
    %dma_start3A_117 = arith.constant 0 : i32
    %dma_start3A_118 = tpu.memref_slice %arg3[%dma_start3A_112, %dma_start3A_117] : memref<16x100000xf32, #tpu.memory_space<hbm>> -> memref<1x100000xf32, #tpu.memory_space<hbm>>
    %dma_start3A_119 = tpu.memref_squeeze %dma_start3A_118 : memref<1x100000xf32, #tpu.memory_space<hbm>> -> memref<100000xf32, #tpu.memory_space<hbm>>
    %dma_start3A_120 = arith.constant 0 : i32
    %dma_start3A_121 = tpu.memref_slice %dma_start3A_119[%dma_start3A_120] : memref<100000xf32, #tpu.memory_space<hbm>> -> memref<100000xf32, #tpu.memory_space<hbm>>
    tpu.enqueue_indirect_dma source(%dma_start3A_121 : memref<100000xf32, #tpu.memory_space<hbm>>) target(%dma_start3A_116 : memref<32xf32, #tpu.memory_space<vmem>>) offsets(%arg5 : memref<32xi32, #tpu.memory_space<vmem>>) semaphore(%arg7 : memref<!tpu.dma_semaphore, #tpu.memory_space<semaphore_mem>>)
    %dma_start3A_122 = arith.constant 12 : i32
    %dma_start3A_123 = arith.constant 12 : i32
    %dma_start3A_124 = arith.constant 0 : i32
    %dma_start3A_125 = tpu.memref_slice %arg6[%dma_start3A_123, %dma_start3A_124] : memref<17x32xf32, #tpu.memory_space<vmem>> -> memref<1x32xf32, #tpu.memory_space<vmem>>
    %dma_start3A_126 = tpu.memref_squeeze %dma_start3A_125 : memref<1x32xf32, #tpu.memory_space<vmem>> -> memref<32xf32, #tpu.memory_space<vmem>>
    %dma_start3A_127 = arith.constant 0 : i32
    %dma_start3A_128 = tpu.memref_slice %arg3[%dma_start3A_122, %dma_start3A_127] : memref<16x100000xf32, #tpu.memory_space<hbm>> -> memref<1x100000xf32, #tpu.memory_space<hbm>>
    %dma_start3A_129 = tpu.memref_squeeze %dma_start3A_128 : memref<1x100000xf32, #tpu.memory_space<hbm>> -> memref<100000xf32, #tpu.memory_space<hbm>>
    %dma_start3A_130 = arith.constant 0 : i32
    %dma_start3A_131 = tpu.memref_slice %dma_start3A_129[%dma_start3A_130] : memref<100000xf32, #tpu.memory_space<hbm>> -> memref<100000xf32, #tpu.memory_space<hbm>>
    tpu.enqueue_indirect_dma source(%dma_start3A_131 : memref<100000xf32, #tpu.memory_space<hbm>>) target(%dma_start3A_126 : memref<32xf32, #tpu.memory_space<vmem>>) offsets(%arg5 : memref<32xi32, #tpu.memory_space<vmem>>) semaphore(%arg7 : memref<!tpu.dma_semaphore, #tpu.memory_space<semaphore_mem>>)
    %dma_start3A_132 = arith.constant 13 : i32
    %dma_start3A_133 = arith.constant 13 : i32
    %dma_start3A_134 = arith.constant 0 : i32
    %dma_start3A_135 = tpu.memref_slice %arg6[%dma_start3A_133, %dma_start3A_134] : memref<17x32xf32, #tpu.memory_space<vmem>> -> memref<1x32xf32, #tpu.memory_space<vmem>>
    %dma_start3A_136 = tpu.memref_squeeze %dma_start3A_135 : memref<1x32xf32, #tpu.memory_space<vmem>> -> memref<32xf32, #tpu.memory_space<vmem>>
    %dma_start3A_137 = arith.constant 0 : i32
    %dma_start3A_138 = tpu.memref_slice %arg3[%dma_start3A_132, %dma_start3A_137] : memref<16x100000xf32, #tpu.memory_space<hbm>> -> memref<1x100000xf32, #tpu.memory_space<hbm>>
    %dma_start3A_139 = tpu.memref_squeeze %dma_start3A_138 : memref<1x100000xf32, #tpu.memory_space<hbm>> -> memref<100000xf32, #tpu.memory_space<hbm>>
    %dma_start3A_140 = arith.constant 0 : i32
    %dma_start3A_141 = tpu.memref_slice %dma_start3A_139[%dma_start3A_140] : memref<100000xf32, #tpu.memory_space<hbm>> -> memref<100000xf32, #tpu.memory_space<hbm>>
    tpu.enqueue_indirect_dma source(%dma_start3A_141 : memref<100000xf32, #tpu.memory_space<hbm>>) target(%dma_start3A_136 : memref<32xf32, #tpu.memory_space<vmem>>) offsets(%arg5 : memref<32xi32, #tpu.memory_space<vmem>>) semaphore(%arg7 : memref<!tpu.dma_semaphore, #tpu.memory_space<semaphore_mem>>)
    %dma_start3A_142 = arith.constant 14 : i32
    %dma_start3A_143 = arith.constant 14 : i32
    %dma_start3A_144 = arith.constant 0 : i32
    %dma_start3A_145 = tpu.memref_slice %arg6[%dma_start3A_143, %dma_start3A_144] : memref<17x32xf32, #tpu.memory_space<vmem>> -> memref<1x32xf32, #tpu.memory_space<vmem>>
    %dma_start3A_146 = tpu.memref_squeeze %dma_start3A_145 : memref<1x32xf32, #tpu.memory_space<vmem>> -> memref<32xf32, #tpu.memory_space<vmem>>
    %dma_start3A_147 = arith.constant 0 : i32
    %dma_start3A_148 = tpu.memref_slice %arg3[%dma_start3A_142, %dma_start3A_147] : memref<16x100000xf32, #tpu.memory_space<hbm>> -> memref<1x100000xf32, #tpu.memory_space<hbm>>
    %dma_start3A_149 = tpu.memref_squeeze %dma_start3A_148 : memref<1x100000xf32, #tpu.memory_space<hbm>> -> memref<100000xf32, #tpu.memory_space<hbm>>
    %dma_start3A_150 = arith.constant 0 : i32
    %dma_start3A_151 = tpu.memref_slice %dma_start3A_149[%dma_start3A_150] : memref<100000xf32, #tpu.memory_space<hbm>> -> memref<100000xf32, #tpu.memory_space<hbm>>
    tpu.enqueue_indirect_dma source(%dma_start3A_151 : memref<100000xf32, #tpu.memory_space<hbm>>) target(%dma_start3A_146 : memref<32xf32, #tpu.memory_space<vmem>>) offsets(%arg5 : memref<32xi32, #tpu.memory_space<vmem>>) semaphore(%arg7 : memref<!tpu.dma_semaphore, #tpu.memory_space<semaphore_mem>>)
    %dma_start3A_152 = arith.constant 15 : i32
    %dma_start3A_153 = arith.constant 15 : i32
    %dma_start3A_154 = arith.constant 0 : i32
    %dma_start3A_155 = tpu.memref_slice %arg6[%dma_start3A_153, %dma_start3A_154] : memref<17x32xf32, #tpu.memory_space<vmem>> -> memref<1x32xf32, #tpu.memory_space<vmem>>
    %dma_start3A_156 = tpu.memref_squeeze %dma_start3A_155 : memref<1x32xf32, #tpu.memory_space<vmem>> -> memref<32xf32, #tpu.memory_space<vmem>>
    %dma_start3A_157 = arith.constant 0 : i32
    %dma_start3A_158 = tpu.memref_slice %arg3[%dma_start3A_152, %dma_start3A_157] : memref<16x100000xf32, #tpu.memory_space<hbm>> -> memref<1x100000xf32, #tpu.memory_space<hbm>>
    %dma_start3A_159 = tpu.memref_squeeze %dma_start3A_158 : memref<1x100000xf32, #tpu.memory_space<hbm>> -> memref<100000xf32, #tpu.memory_space<hbm>>
    %dma_start3A_160 = arith.constant 0 : i32
    %dma_start3A_161 = tpu.memref_slice %dma_start3A_159[%dma_start3A_160] : memref<100000xf32, #tpu.memory_space<hbm>> -> memref<100000xf32, #tpu.memory_space<hbm>>
    tpu.enqueue_indirect_dma source(%dma_start3A_161 : memref<100000xf32, #tpu.memory_space<hbm>>) target(%dma_start3A_156 : memref<32xf32, #tpu.memory_space<vmem>>) offsets(%arg5 : memref<32xi32, #tpu.memory_space<vmem>>) semaphore(%arg7 : memref<!tpu.dma_semaphore, #tpu.memory_space<semaphore_mem>>)
    %broadcast_in_dim3A = arith.constant 1.000000e+00 : f32
    %broadcast_in_dim3A_162 = vector.broadcast %broadcast_in_dim3A : f32 to vector<16xf32>
    %swap3A = arith.constant 16 : i32
    %swap3A_163 = arith.index_cast %swap3A : i32 to index
    %swap3A_164 = arith.constant 0 : index
    %swap3A_165 = tpu.vector_load %arg6[%swap3A_163, %swap3A_164] {strides = array<i32>} : memref<17x32xf32, #tpu.memory_space<vmem>>, vector<1x16xf32>,
    %swap3A_166 = vector.shape_cast %swap3A_165 : vector<1x16xf32> to vector<16xf32>
    %swap3A_167 = vector.shape_cast %broadcast_in_dim3A_162 : vector<16xf32> to vector<1x16xf32>
    tpu.vector_store %arg6[%swap3A_163, %swap3A_164], %swap3A_167 {strides = array<i32>} : memref<17x32xf32, #tpu.memory_space<vmem>>, vector<1x16xf32>,
    %broadcast_in_dim3A_168 = arith.constant 1.000000e+00 : f32
    %broadcast_in_dim3A_169 = vector.broadcast %broadcast_in_dim3A_168 : f32 to vector<16xf32>
    %swap3A_170 = arith.constant 16 : i32
    %swap3A_171 = arith.index_cast %swap3A_170 : i32 to index
    %swap3A_172 = arith.constant 16 : index
    %swap3A_173 = tpu.vector_load %arg6[%swap3A_171, %swap3A_172] {strides = array<i32>} : memref<17x32xf32, #tpu.memory_space<vmem>>, vector<1x16xf32>,
    %swap3A_174 = vector.shape_cast %swap3A_173 : vector<1x16xf32> to vector<16xf32>
    %swap3A_175 = vector.shape_cast %broadcast_in_dim3A_169 : vector<16xf32> to vector<1x16xf32>
    tpu.vector_store %arg6[%swap3A_171, %swap3A_172], %swap3A_175 {strides = array<i32>} : memref<17x32xf32, #tpu.memory_space<vmem>>, vector<1x16xf32>,
    %dma_wait3A = arith.constant 0 : i32
    %dma_wait3A_176 = arith.constant 0 : i32
    %dma_wait3A_177 = arith.constant 0 : i32
    %dma_wait3A_178 = tpu.memref_slice %arg6[%dma_wait3A_176, %dma_wait3A_177] : memref<17x32xf32, #tpu.memory_space<vmem>> -> memref<1x32xf32, #tpu.memory_space<vmem>>
    %dma_wait3A_179 = tpu.memref_squeeze %dma_wait3A_178 : memref<1x32xf32, #tpu.memory_space<vmem>> -> memref<32xf32, #tpu.memory_space<vmem>>
    %dma_wait3A_180 = arith.constant 0 : i32
    %dma_wait3A_181 = tpu.memref_slice %arg3[%dma_wait3A, %dma_wait3A_180] : memref<16x100000xf32, #tpu.memory_space<hbm>> -> memref<1x100000xf32, #tpu.memory_space<hbm>>
    %dma_wait3A_182 = tpu.memref_squeeze %dma_wait3A_181 : memref<1x100000xf32, #tpu.memory_space<hbm>> -> memref<100000xf32, #tpu.memory_space<hbm>>
    %dma_wait3A_183 = arith.constant 0 : i32
    %dma_wait3A_184 = tpu.memref_slice %dma_wait3A_182[%dma_wait3A_183] : memref<100000xf32, #tpu.memory_space<hbm>> -> memref<100000xf32, #tpu.memory_space<hbm>>
    tpu.wait_indirect_dma semaphore(%arg7 : memref<!tpu.dma_semaphore, #tpu.memory_space<semaphore_mem>>) src(%dma_wait3A_184 : memref<100000xf32, #tpu.memory_space<hbm>>) dst(%dma_wait3A_179 : memref<32xf32, #tpu.memory_space<vmem>>)
    %dma_wait3A_185 = arith.constant 1 : i32
    %dma_wait3A_186 = arith.constant 1 : i32
    %dma_wait3A_187 = arith.constant 0 : i32
    %dma_wait3A_188 = tpu.memref_slice %arg6[%dma_wait3A_186, %dma_wait3A_187] : memref<17x32xf32, #tpu.memory_space<vmem>> -> memref<1x32xf32, #tpu.memory_space<vmem>>
    %dma_wait3A_189 = tpu.memref_squeeze %dma_wait3A_188 : memref<1x32xf32, #tpu.memory_space<vmem>> -> memref<32xf32, #tpu.memory_space<vmem>>
    %dma_wait3A_190 = arith.constant 0 : i32
    %dma_wait3A_191 = tpu.memref_slice %arg3[%dma_wait3A_185, %dma_wait3A_190] : memref<16x100000xf32, #tpu.memory_space<hbm>> -> memref<1x100000xf32, #tpu.memory_space<hbm>>
    %dma_wait3A_192 = tpu.memref_squeeze %dma_wait3A_191 : memref<1x100000xf32, #tpu.memory_space<hbm>> -> memref<100000xf32, #tpu.memory_space<hbm>>
    %dma_wait3A_193 = arith.constant 0 : i32
    %dma_wait3A_194 = tpu.memref_slice %dma_wait3A_192[%dma_wait3A_193] : memref<100000xf32, #tpu.memory_space<hbm>> -> memref<100000xf32, #tpu.memory_space<hbm>>
    tpu.wait_indirect_dma semaphore(%arg7 : memref<!tpu.dma_semaphore, #tpu.memory_space<semaphore_mem>>) src(%dma_wait3A_194 : memref<100000xf32, #tpu.memory_space<hbm>>) dst(%dma_wait3A_189 : memref<32xf32, #tpu.memory_space<vmem>>)
    %dma_wait3A_195 = arith.constant 2 : i32
    %dma_wait3A_196 = arith.constant 2 : i32
    %dma_wait3A_197 = arith.constant 0 : i32
    %dma_wait3A_198 = tpu.memref_slice %arg6[%dma_wait3A_196, %dma_wait3A_197] : memref<17x32xf32, #tpu.memory_space<vmem>> -> memref<1x32xf32, #tpu.memory_space<vmem>>
    %dma_wait3A_199 = tpu.memref_squeeze %dma_wait3A_198 : memref<1x32xf32, #tpu.memory_space<vmem>> -> memref<32xf32, #tpu.memory_space<vmem>>
    %dma_wait3A_200 = arith.constant 0 : i32
    %dma_wait3A_201 = tpu.memref_slice %arg3[%dma_wait3A_195, %dma_wait3A_200] : memref<16x100000xf32, #tpu.memory_space<hbm>> -> memref<1x100000xf32, #tpu.memory_space<hbm>>
    %dma_wait3A_202 = tpu.memref_squeeze %dma_wait3A_201 : memref<1x100000xf32, #tpu.memory_space<hbm>> -> memref<100000xf32, #tpu.memory_space<hbm>>
    %dma_wait3A_203 = arith.constant 0 : i32
    %dma_wait3A_204 = tpu.memref_slice %dma_wait3A_202[%dma_wait3A_203] : memref<100000xf32, #tpu.memory_space<hbm>> -> memref<100000xf32, #tpu.memory_space<hbm>>
    tpu.wait_indirect_dma semaphore(%arg7 : memref<!tpu.dma_semaphore, #tpu.memory_space<semaphore_mem>>) src(%dma_wait3A_204 : memref<100000xf32, #tpu.memory_space<hbm>>) dst(%dma_wait3A_199 : memref<32xf32, #tpu.memory_space<vmem>>)
    %dma_wait3A_205 = arith.constant 3 : i32
    %dma_wait3A_206 = arith.constant 3 : i32
    %dma_wait3A_207 = arith.constant 0 : i32
    %dma_wait3A_208 = tpu.memref_slice %arg6[%dma_wait3A_206, %dma_wait3A_207] : memref<17x32xf32, #tpu.memory_space<vmem>> -> memref<1x32xf32, #tpu.memory_space<vmem>>
    %dma_wait3A_209 = tpu.memref_squeeze %dma_wait3A_208 : memref<1x32xf32, #tpu.memory_space<vmem>> -> memref<32xf32, #tpu.memory_space<vmem>>
    %dma_wait3A_210 = arith.constant 0 : i32
    %dma_wait3A_211 = tpu.memref_slice %arg3[%dma_wait3A_205, %dma_wait3A_210] : memref<16x100000xf32, #tpu.memory_space<hbm>> -> memref<1x100000xf32, #tpu.memory_space<hbm>>
    %dma_wait3A_212 = tpu.memref_squeeze %dma_wait3A_211 : memref<1x100000xf32, #tpu.memory_space<hbm>> -> memref<100000xf32, #tpu.memory_space<hbm>>
    %dma_wait3A_213 = arith.constant 0 : i32
    %dma_wait3A_214 = tpu.memref_slice %dma_wait3A_212[%dma_wait3A_213] : memref<100000xf32, #tpu.memory_space<hbm>> -> memref<100000xf32, #tpu.memory_space<hbm>>
    tpu.wait_indirect_dma semaphore(%arg7 : memref<!tpu.dma_semaphore, #tpu.memory_space<semaphore_mem>>) src(%dma_wait3A_214 : memref<100000xf32, #tpu.memory_space<hbm>>) dst(%dma_wait3A_209 : memref<32xf32, #tpu.memory_space<vmem>>)
    %dma_wait3A_215 = arith.constant 4 : i32
    %dma_wait3A_216 = arith.constant 4 : i32
    %dma_wait3A_217 = arith.constant 0 : i32
    %dma_wait3A_218 = tpu.memref_slice %arg6[%dma_wait3A_216, %dma_wait3A_217] : memref<17x32xf32, #tpu.memory_space<vmem>> -> memref<1x32xf32, #tpu.memory_space<vmem>>
    %dma_wait3A_219 = tpu.memref_squeeze %dma_wait3A_218 : memref<1x32xf32, #tpu.memory_space<vmem>> -> memref<32xf32, #tpu.memory_space<vmem>>
    %dma_wait3A_220 = arith.constant 0 : i32
    %dma_wait3A_221 = tpu.memref_slice %arg3[%dma_wait3A_215, %dma_wait3A_220] : memref<16x100000xf32, #tpu.memory_space<hbm>> -> memref<1x100000xf32, #tpu.memory_space<hbm>>
    %dma_wait3A_222 = tpu.memref_squeeze %dma_wait3A_221 : memref<1x100000xf32, #tpu.memory_space<hbm>> -> memref<100000xf32, #tpu.memory_space<hbm>>
    %dma_wait3A_223 = arith.constant 0 : i32
    %dma_wait3A_224 = tpu.memref_slice %dma_wait3A_222[%dma_wait3A_223] : memref<100000xf32, #tpu.memory_space<hbm>> -> memref<100000xf32, #tpu.memory_space<hbm>>
    tpu.wait_indirect_dma semaphore(%arg7 : memref<!tpu.dma_semaphore, #tpu.memory_space<semaphore_mem>>) src(%dma_wait3A_224 : memref<100000xf32, #tpu.memory_space<hbm>>) dst(%dma_wait3A_219 : memref<32xf32, #tpu.memory_space<vmem>>)
    %dma_wait3A_225 = arith.constant 5 : i32
    %dma_wait3A_226 = arith.constant 5 : i32
    %dma_wait3A_227 = arith.constant 0 : i32
    %dma_wait3A_228 = tpu.memref_slice %arg6[%dma_wait3A_226, %dma_wait3A_227] : memref<17x32xf32, #tpu.memory_space<vmem>> -> memref<1x32xf32, #tpu.memory_space<vmem>>
    %dma_wait3A_229 = tpu.memref_squeeze %dma_wait3A_228 : memref<1x32xf32, #tpu.memory_space<vmem>> -> memref<32xf32, #tpu.memory_space<vmem>>
    %dma_wait3A_230 = arith.constant 0 : i32
    %dma_wait3A_231 = tpu.memref_slice %arg3[%dma_wait3A_225, %dma_wait3A_230] : memref<16x100000xf32, #tpu.memory_space<hbm>> -> memref<1x100000xf32, #tpu.memory_space<hbm>>
    %dma_wait3A_232 = tpu.memref_squeeze %dma_wait3A_231 : memref<1x100000xf32, #tpu.memory_space<hbm>> -> memref<100000xf32, #tpu.memory_space<hbm>>
    %dma_wait3A_233 = arith.constant 0 : i32
    %dma_wait3A_234 = tpu.memref_slice %dma_wait3A_232[%dma_wait3A_233] : memref<100000xf32, #tpu.memory_space<hbm>> -> memref<100000xf32, #tpu.memory_space<hbm>>
    tpu.wait_indirect_dma semaphore(%arg7 : memref<!tpu.dma_semaphore, #tpu.memory_space<semaphore_mem>>) src(%dma_wait3A_234 : memref<100000xf32, #tpu.memory_space<hbm>>) dst(%dma_wait3A_229 : memref<32xf32, #tpu.memory_space<vmem>>)
    %dma_wait3A_235 = arith.constant 6 : i32
    %dma_wait3A_236 = arith.constant 6 : i32
    %dma_wait3A_237 = arith.constant 0 : i32
    %dma_wait3A_238 = tpu.memref_slice %arg6[%dma_wait3A_236, %dma_wait3A_237] : memref<17x32xf32, #tpu.memory_space<vmem>> -> memref<1x32xf32, #tpu.memory_space<vmem>>
    %dma_wait3A_239 = tpu.memref_squeeze %dma_wait3A_238 : memref<1x32xf32, #tpu.memory_space<vmem>> -> memref<32xf32, #tpu.memory_space<vmem>>
    %dma_wait3A_240 = arith.constant 0 : i32
    %dma_wait3A_241 = tpu.memref_slice %arg3[%dma_wait3A_235, %dma_wait3A_240] : memref<16x100000xf32, #tpu.memory_space<hbm>> -> memref<1x100000xf32, #tpu.memory_space<hbm>>
    %dma_wait3A_242 = tpu.memref_squeeze %dma_wait3A_241 : memref<1x100000xf32, #tpu.memory_space<hbm>> -> memref<100000xf32, #tpu.memory_space<hbm>>
    %dma_wait3A_243 = arith.constant 0 : i32
    %dma_wait3A_244 = tpu.memref_slice %dma_wait3A_242[%dma_wait3A_243] : memref<100000xf32, #tpu.memory_space<hbm>> -> memref<100000xf32, #tpu.memory_space<hbm>>
    tpu.wait_indirect_dma semaphore(%arg7 : memref<!tpu.dma_semaphore, #tpu.memory_space<semaphore_mem>>) src(%dma_wait3A_244 : memref<100000xf32, #tpu.memory_space<hbm>>) dst(%dma_wait3A_239 : memref<32xf32, #tpu.memory_space<vmem>>)
    %dma_wait3A_245 = arith.constant 7 : i32
    %dma_wait3A_246 = arith.constant 7 : i32
    %dma_wait3A_247 = arith.constant 0 : i32
    %dma_wait3A_248 = tpu.memref_slice %arg6[%dma_wait3A_246, %dma_wait3A_247] : memref<17x32xf32, #tpu.memory_space<vmem>> -> memref<1x32xf32, #tpu.memory_space<vmem>>
    %dma_wait3A_249 = tpu.memref_squeeze %dma_wait3A_248 : memref<1x32xf32, #tpu.memory_space<vmem>> -> memref<32xf32, #tpu.memory_space<vmem>>
    %dma_wait3A_250 = arith.constant 0 : i32
    %dma_wait3A_251 = tpu.memref_slice %arg3[%dma_wait3A_245, %dma_wait3A_250] : memref<16x100000xf32, #tpu.memory_space<hbm>> -> memref<1x100000xf32, #tpu.memory_space<hbm>>
    %dma_wait3A_252 = tpu.memref_squeeze %dma_wait3A_251 : memref<1x100000xf32, #tpu.memory_space<hbm>> -> memref<100000xf32, #tpu.memory_space<hbm>>
    %dma_wait3A_253 = arith.constant 0 : i32
    %dma_wait3A_254 = tpu.memref_slice %dma_wait3A_252[%dma_wait3A_253] : memref<100000xf32, #tpu.memory_space<hbm>> -> memref<100000xf32, #tpu.memory_space<hbm>>
    tpu.wait_indirect_dma semaphore(%arg7 : memref<!tpu.dma_semaphore, #tpu.memory_space<semaphore_mem>>) src(%dma_wait3A_254 : memref<100000xf32, #tpu.memory_space<hbm>>) dst(%dma_wait3A_249 : memref<32xf32, #tpu.memory_space<vmem>>)
    %dma_wait3A_255 = arith.constant 8 : i32
    %dma_wait3A_256 = arith.constant 8 : i32
    %dma_wait3A_257 = arith.constant 0 : i32
    %dma_wait3A_258 = tpu.memref_slice %arg6[%dma_wait3A_256, %dma_wait3A_257] : memref<17x32xf32, #tpu.memory_space<vmem>> -> memref<1x32xf32, #tpu.memory_space<vmem>>
    %dma_wait3A_259 = tpu.memref_squeeze %dma_wait3A_258 : memref<1x32xf32, #tpu.memory_space<vmem>> -> memref<32xf32, #tpu.memory_space<vmem>>
    %dma_wait3A_260 = arith.constant 0 : i32
    %dma_wait3A_261 = tpu.memref_slice %arg3[%dma_wait3A_255, %dma_wait3A_260] : memref<16x100000xf32, #tpu.memory_space<hbm>> -> memref<1x100000xf32, #tpu.memory_space<hbm>>
    %dma_wait3A_262 = tpu.memref_squeeze %dma_wait3A_261 : memref<1x100000xf32, #tpu.memory_space<hbm>> -> memref<100000xf32, #tpu.memory_space<hbm>>
    %dma_wait3A_263 = arith.constant 0 : i32
    %dma_wait3A_264 = tpu.memref_slice %dma_wait3A_262[%dma_wait3A_263] : memref<100000xf32, #tpu.memory_space<hbm>> -> memref<100000xf32, #tpu.memory_space<hbm>>
    tpu.wait_indirect_dma semaphore(%arg7 : memref<!tpu.dma_semaphore, #tpu.memory_space<semaphore_mem>>) src(%dma_wait3A_264 : memref<100000xf32, #tpu.memory_space<hbm>>) dst(%dma_wait3A_259 : memref<32xf32, #tpu.memory_space<vmem>>)
    %dma_wait3A_265 = arith.constant 9 : i32
    %dma_wait3A_266 = arith.constant 9 : i32
    %dma_wait3A_267 = arith.constant 0 : i32
    %dma_wait3A_268 = tpu.memref_slice %arg6[%dma_wait3A_266, %dma_wait3A_267] : memref<17x32xf32, #tpu.memory_space<vmem>> -> memref<1x32xf32, #tpu.memory_space<vmem>>
    %dma_wait3A_269 = tpu.memref_squeeze %dma_wait3A_268 : memref<1x32xf32, #tpu.memory_space<vmem>> -> memref<32xf32, #tpu.memory_space<vmem>>
    %dma_wait3A_270 = arith.constant 0 : i32
    %dma_wait3A_271 = tpu.memref_slice %arg3[%dma_wait3A_265, %dma_wait3A_270] : memref<16x100000xf32, #tpu.memory_space<hbm>> -> memref<1x100000xf32, #tpu.memory_space<hbm>>
    %dma_wait3A_272 = tpu.memref_squeeze %dma_wait3A_271 : memref<1x100000xf32, #tpu.memory_space<hbm>> -> memref<100000xf32, #tpu.memory_space<hbm>>
    %dma_wait3A_273 = arith.constant 0 : i32
    %dma_wait3A_274 = tpu.memref_slice %dma_wait3A_272[%dma_wait3A_273] : memref<100000xf32, #tpu.memory_space<hbm>> -> memref<100000xf32, #tpu.memory_space<hbm>>
    tpu.wait_indirect_dma semaphore(%arg7 : memref<!tpu.dma_semaphore, #tpu.memory_space<semaphore_mem>>) src(%dma_wait3A_274 : memref<100000xf32, #tpu.memory_space<hbm>>) dst(%dma_wait3A_269 : memref<32xf32, #tpu.memory_space<vmem>>)
    %dma_wait3A_275 = arith.constant 10 : i32
    %dma_wait3A_276 = arith.constant 10 : i32
    %dma_wait3A_277 = arith.constant 0 : i32
    %dma_wait3A_278 = tpu.memref_slice %arg6[%dma_wait3A_276, %dma_wait3A_277] : memref<17x32xf32, #tpu.memory_space<vmem>> -> memref<1x32xf32, #tpu.memory_space<vmem>>
    %dma_wait3A_279 = tpu.memref_squeeze %dma_wait3A_278 : memref<1x32xf32, #tpu.memory_space<vmem>> -> memref<32xf32, #tpu.memory_space<vmem>>
    %dma_wait3A_280 = arith.constant 0 : i32
    %dma_wait3A_281 = tpu.memref_slice %arg3[%dma_wait3A_275, %dma_wait3A_280] : memref<16x100000xf32, #tpu.memory_space<hbm>> -> memref<1x100000xf32, #tpu.memory_space<hbm>>
    %dma_wait3A_282 = tpu.memref_squeeze %dma_wait3A_281 : memref<1x100000xf32, #tpu.memory_space<hbm>> -> memref<100000xf32, #tpu.memory_space<hbm>>
    %dma_wait3A_283 = arith.constant 0 : i32
    %dma_wait3A_284 = tpu.memref_slice %dma_wait3A_282[%dma_wait3A_283] : memref<100000xf32, #tpu.memory_space<hbm>> -> memref<100000xf32, #tpu.memory_space<hbm>>
    tpu.wait_indirect_dma semaphore(%arg7 : memref<!tpu.dma_semaphore, #tpu.memory_space<semaphore_mem>>) src(%dma_wait3A_284 : memref<100000xf32, #tpu.memory_space<hbm>>) dst(%dma_wait3A_279 : memref<32xf32, #tpu.memory_space<vmem>>)
    %dma_wait3A_285 = arith.constant 11 : i32
    %dma_wait3A_286 = arith.constant 11 : i32
    %dma_wait3A_287 = arith.constant 0 : i32
    %dma_wait3A_288 = tpu.memref_slice %arg6[%dma_wait3A_286, %dma_wait3A_287] : memref<17x32xf32, #tpu.memory_space<vmem>> -> memref<1x32xf32, #tpu.memory_space<vmem>>
    %dma_wait3A_289 = tpu.memref_squeeze %dma_wait3A_288 : memref<1x32xf32, #tpu.memory_space<vmem>> -> memref<32xf32, #tpu.memory_space<vmem>>
    %dma_wait3A_290 = arith.constant 0 : i32
    %dma_wait3A_291 = tpu.memref_slice %arg3[%dma_wait3A_285, %dma_wait3A_290] : memref<16x100000xf32, #tpu.memory_space<hbm>> -> memref<1x100000xf32, #tpu.memory_space<hbm>>
    %dma_wait3A_292 = tpu.memref_squeeze %dma_wait3A_291 : memref<1x100000xf32, #tpu.memory_space<hbm>> -> memref<100000xf32, #tpu.memory_space<hbm>>
    %dma_wait3A_293 = arith.constant 0 : i32
    %dma_wait3A_294 = tpu.memref_slice %dma_wait3A_292[%dma_wait3A_293] : memref<100000xf32, #tpu.memory_space<hbm>> -> memref<100000xf32, #tpu.memory_space<hbm>>
    tpu.wait_indirect_dma semaphore(%arg7 : memref<!tpu.dma_semaphore, #tpu.memory_space<semaphore_mem>>) src(%dma_wait3A_294 : memref<100000xf32, #tpu.memory_space<hbm>>) dst(%dma_wait3A_289 : memref<32xf32, #tpu.memory_space<vmem>>)
    %dma_wait3A_295 = arith.constant 12 : i32
    %dma_wait3A_296 = arith.constant 12 : i32
    %dma_wait3A_297 = arith.constant 0 : i32
    %dma_wait3A_298 = tpu.memref_slice %arg6[%dma_wait3A_296, %dma_wait3A_297] : memref<17x32xf32, #tpu.memory_space<vmem>> -> memref<1x32xf32, #tpu.memory_space<vmem>>
    %dma_wait3A_299 = tpu.memref_squeeze %dma_wait3A_298 : memref<1x32xf32, #tpu.memory_space<vmem>> -> memref<32xf32, #tpu.memory_space<vmem>>
    %dma_wait3A_300 = arith.constant 0 : i32
    %dma_wait3A_301 = tpu.memref_slice %arg3[%dma_wait3A_295, %dma_wait3A_300] : memref<16x100000xf32, #tpu.memory_space<hbm>> -> memref<1x100000xf32, #tpu.memory_space<hbm>>
    %dma_wait3A_302 = tpu.memref_squeeze %dma_wait3A_301 : memref<1x100000xf32, #tpu.memory_space<hbm>> -> memref<100000xf32, #tpu.memory_space<hbm>>
    %dma_wait3A_303 = arith.constant 0 : i32
    %dma_wait3A_304 = tpu.memref_slice %dma_wait3A_302[%dma_wait3A_303] : memref<100000xf32, #tpu.memory_space<hbm>> -> memref<100000xf32, #tpu.memory_space<hbm>>
    tpu.wait_indirect_dma semaphore(%arg7 : memref<!tpu.dma_semaphore, #tpu.memory_space<semaphore_mem>>) src(%dma_wait3A_304 : memref<100000xf32, #tpu.memory_space<hbm>>) dst(%dma_wait3A_299 : memref<32xf32, #tpu.memory_space<vmem>>)
    %dma_wait3A_305 = arith.constant 13 : i32
    %dma_wait3A_306 = arith.constant 13 : i32
    %dma_wait3A_307 = arith.constant 0 : i32
    %dma_wait3A_308 = tpu.memref_slice %arg6[%dma_wait3A_306, %dma_wait3A_307] : memref<17x32xf32, #tpu.memory_space<vmem>> -> memref<1x32xf32, #tpu.memory_space<vmem>>
    %dma_wait3A_309 = tpu.memref_squeeze %dma_wait3A_308 : memref<1x32xf32, #tpu.memory_space<vmem>> -> memref<32xf32, #tpu.memory_space<vmem>>
    %dma_wait3A_310 = arith.constant 0 : i32
    %dma_wait3A_311 = tpu.memref_slice %arg3[%dma_wait3A_305, %dma_wait3A_310] : memref<16x100000xf32, #tpu.memory_space<hbm>> -> memref<1x100000xf32, #tpu.memory_space<hbm>>
    %dma_wait3A_312 = tpu.memref_squeeze %dma_wait3A_311 : memref<1x100000xf32, #tpu.memory_space<hbm>> -> memref<100000xf32, #tpu.memory_space<hbm>>
    %dma_wait3A_313 = arith.constant 0 : i32
    %dma_wait3A_314 = tpu.memref_slice %dma_wait3A_312[%dma_wait3A_313] : memref<100000xf32, #tpu.memory_space<hbm>> -> memref<100000xf32, #tpu.memory_space<hbm>>
    tpu.wait_indirect_dma semaphore(%arg7 : memref<!tpu.dma_semaphore, #tpu.memory_space<semaphore_mem>>) src(%dma_wait3A_314 : memref<100000xf32, #tpu.memory_space<hbm>>) dst(%dma_wait3A_309 : memref<32xf32, #tpu.memory_space<vmem>>)
    %dma_wait3A_315 = arith.constant 14 : i32
    %dma_wait3A_316 = arith.constant 14 : i32
    %dma_wait3A_317 = arith.constant 0 : i32
    %dma_wait3A_318 = tpu.memref_slice %arg6[%dma_wait3A_316, %dma_wait3A_317] : memref<17x32xf32, #tpu.memory_space<vmem>> -> memref<1x32xf32, #tpu.memory_space<vmem>>
    %dma_wait3A_319 = tpu.memref_squeeze %dma_wait3A_318 : memref<1x32xf32, #tpu.memory_space<vmem>> -> memref<32xf32, #tpu.memory_space<vmem>>
    %dma_wait3A_320 = arith.constant 0 : i32
    %dma_wait3A_321 = tpu.memref_slice %arg3[%dma_wait3A_315, %dma_wait3A_320] : memref<16x100000xf32, #tpu.memory_space<hbm>> -> memref<1x100000xf32, #tpu.memory_space<hbm>>
    %dma_wait3A_322 = tpu.memref_squeeze %dma_wait3A_321 : memref<1x100000xf32, #tpu.memory_space<hbm>> -> memref<100000xf32, #tpu.memory_space<hbm>>
    %dma_wait3A_323 = arith.constant 0 : i32
    %dma_wait3A_324 = tpu.memref_slice %dma_wait3A_322[%dma_wait3A_323] : memref<100000xf32, #tpu.memory_space<hbm>> -> memref<100000xf32, #tpu.memory_space<hbm>>
    tpu.wait_indirect_dma semaphore(%arg7 : memref<!tpu.dma_semaphore, #tpu.memory_space<semaphore_mem>>) src(%dma_wait3A_324 : memref<100000xf32, #tpu.memory_space<hbm>>) dst(%dma_wait3A_319 : memref<32xf32, #tpu.memory_space<vmem>>)
    %dma_wait3A_325 = arith.constant 15 : i32
    %dma_wait3A_326 = arith.constant 15 : i32
    %dma_wait3A_327 = arith.constant 0 : i32
    %dma_wait3A_328 = tpu.memref_slice %arg6[%dma_wait3A_326, %dma_wait3A_327] : memref<17x32xf32, #tpu.memory_space<vmem>> -> memref<1x32xf32, #tpu.memory_space<vmem>>
    %dma_wait3A_329 = tpu.memref_squeeze %dma_wait3A_328 : memref<1x32xf32, #tpu.memory_space<vmem>> -> memref<32xf32, #tpu.memory_space<vmem>>
    %dma_wait3A_330 = arith.constant 0 : i32
    %dma_wait3A_331 = tpu.memref_slice %arg3[%dma_wait3A_325, %dma_wait3A_330] : memref<16x100000xf32, #tpu.memory_space<hbm>> -> memref<1x100000xf32, #tpu.memory_space<hbm>>
    %dma_wait3A_332 = tpu.memref_squeeze %dma_wait3A_331 : memref<1x100000xf32, #tpu.memory_space<hbm>> -> memref<100000xf32, #tpu.memory_space<hbm>>
    %dma_wait3A_333 = arith.constant 0 : i32
    %dma_wait3A_334 = tpu.memref_slice %dma_wait3A_332[%dma_wait3A_333] : memref<100000xf32, #tpu.memory_space<hbm>> -> memref<100000xf32, #tpu.memory_space<hbm>>
    tpu.wait_indirect_dma semaphore(%arg7 : memref<!tpu.dma_semaphore, #tpu.memory_space<semaphore_mem>>) src(%dma_wait3A_334 : memref<100000xf32, #tpu.memory_space<hbm>>) dst(%dma_wait3A_329 : memref<32xf32, #tpu.memory_space<vmem>>)
    "tpu.region"() ({
      %run_scoped3A = tpu.sem_alloc : memref<!tpu.dma_semaphore, #tpu.memory_space<semaphore_mem>>
      %dma_start3A_335 = arith.constant 0 : i32
      %dma_start3A_336 = tpu.memref_slice %arg4[%dma_start3A_335, %mul3A_2] : memref<17x1024xf32, #tpu.memory_space<hbm>> -> memref<17x32xf32, #tpu.memory_space<hbm>>
      %dma_start3A_337 = arith.constant 0 : i32
      %dma_start3A_338 = tpu.memref_slice %arg4[%dma_start3A_337, %mul3A_2] : memref<17x1024xf32, #tpu.memory_space<hbm>> -> memref<17x32xf32, #tpu.memory_space<hbm>>
      tpu.enqueue_dma source(%arg6 : memref<17x32xf32, #tpu.memory_space<vmem>>) target(%dma_start3A_338 : memref<17x32xf32, #tpu.memory_space<hbm>>) target_semaphore(%run_scoped3A : memref<!tpu.dma_semaphore, #tpu.memory_space<semaphore_mem>>)
      %dma_wait3A_339 = arith.constant 0 : i32
      %dma_wait3A_340 = tpu.memref_slice %arg4[%dma_wait3A_339, %mul3A_2] : memref<17x1024xf32, #tpu.memory_space<hbm>> -> memref<17x32xf32, #tpu.memory_space<hbm>>
      %dma_wait3A_341 = arith.constant 0 : i32
      %dma_wait3A_342 = tpu.memref_slice %arg4[%dma_wait3A_341, %mul3A_2] : memref<17x1024xf32, #tpu.memory_space<hbm>> -> memref<17x32xf32, #tpu.memory_space<hbm>>
      tpu.wait_dma2 semaphore(%run_scoped3A : memref<!tpu.dma_semaphore, #tpu.memory_space<semaphore_mem>>) src(%arg6 : memref<17x32xf32, #tpu.memory_space<vmem>>) dst(%dma_wait3A_342 : memref<17x32xf32, #tpu.memory_space<hbm>>)
      tpu.yield
    }) : () -> ()
    return
  }
}

module attributes {stable_mosaic.version = 14 : i64} {
  func.func @_mm_body(%arg0: i32, %arg1: memref<17x1024xf32, #tpu.memory_space<vmem>>, %arg2: memref<16x2944xf32, #tpu.memory_space<vmem>>, %arg3: memref<1x2944xf32, #tpu.memory_space<vmem>>, %arg4: memref<2944x1024xf32, #tpu.memory_space<vmem>>) attributes {dimension_semantics = [#tpu.dimension_semantics<arbitrary>], iteration_bounds = array<i64: 34>, scalar_prefetch = 0 : i64, scratch_operands = 0 : i64, tpu.core_type = #tpu.core_type<tc>, window_params = [{pipeline_mode = #tpu.pipeline_mode<synchronous>, transform_indices = @transform_0, window_bounds = array<i64: 17, 1024>}, {transform_indices = @transform_1, window_bounds = array<i64: 16, 2944>}, {transform_indices = @transform_2, window_bounds = array<i64: 1, 2944>}, {transform_indices = @transform_3, window_bounds = array<i64: 2944, 1024>}]} {
    %get3A = arith.constant 0 : index
    %get3A_0 = arith.constant 0 : index
    %get3A_1 = vector.load %arg2[%get3A, %get3A_0] : memref<16x2944xf32, #tpu.memory_space<vmem>>, vector<16x2944xf32>
    %get3A_2 = arith.constant 0 : index
    %get3A_3 = arith.constant 0 : index
    %get3A_4 = vector.load %arg3[%get3A_2, %get3A_3] : memref<1x2944xf32, #tpu.memory_space<vmem>>, vector<1x2944xf32>
    %concatenate3A = tpu.concatenate %get3A_1, %get3A_4 in 0 : vector<16x2944xf32>, vector<1x2944xf32> -> vector<17x2944xf32>
    %get3A_5 = arith.constant 0 : index
    %get3A_6 = arith.constant 0 : index
    %get3A_7 = vector.load %arg1[%get3A_5, %get3A_6] : memref<17x1024xf32, #tpu.memory_space<vmem>>, vector<17x1024xf32>
    %dot_general3A = arith.constant dense<0.000000e+00> : vector<2944x1024xf32>
    %dot_general3A_8 = tpu.matmul %concatenate3A, %get3A_7, %dot_general3A {dimension_numbers = #tpu.dot_dimension_numbers<[0], [0], [1], [1], [0, 1, 1, 1], [], []>, transpose_lhs_hint = false} : vector<17x2944xf32>, vector<17x1024xf32>, vector<2944x1024xf32> -> vector<2944x1024xf32>
    %swap3A = arith.constant 0 : index
    %swap3A_9 = arith.constant 0 : index
    %swap3A_10 = vector.load %arg4[%swap3A, %swap3A_9] : memref<2944x1024xf32, #tpu.memory_space<vmem>>, vector<2944x1024xf32>
    tpu.vector_store %arg4[%swap3A, %swap3A_9], %dot_general3A_8 {strides = array<i32>} : memref<2944x1024xf32, #tpu.memory_space<vmem>>, vector<2944x1024xf32>,
    return
  }
  func.func @transform_0(%arg0: i32) -> (i32, i32) {
    %c0_i32 = arith.constant 0 : i32
    %c0_i32_0 = arith.constant 0 : i32
    %c0_i32_1 = arith.constant 0 : i32
    return %c0_i32, %c0_i32_0 : i32, i32
  }
  func.func @transform_1(%arg0: i32) -> (i32, i32) {
    %c0_i32 = arith.constant 0 : i32
    %c0_i32_0 = arith.constant 0 : i32
    return %c0_i32, %arg0 : i32, i32
  }
  func.func @transform_2(%arg0: i32) -> (i32, i32) {
    %c0_i32 = arith.constant 0 : i32
    %c0_i32_0 = arith.constant 0 : i32
    return %c0_i32, %arg0 : i32, i32
  }
  func.func @transform_3(%arg0: i32) -> (i32, i32) {
    %c0_i32 = arith.constant 0 : i32
    %c0_i32_0 = arith.constant 0 : i32
    return %arg0, %c0_i32 : i32, i32
  }
}

</mosaic_0001>

<sc_bundles>
// kernel: kernel.4.cloned.1.call-start
scs
__scs_entry_jumppad:
0x0: {  	(pc) =	sbr.rel $0x88, $3  }
0x1: {  	(tag) =	ssettag $0x0;
	lr =	simm.s32 $0x1  }
0x2: {  	[smem:$0x3F9D] =	sst lr;
	_ =	strace $0xD0000000  }
0x3: {  	_ = 	snop  }
0x4: {  	_ = 	snop  }
0x5: {  	_ = 	snop  }
0x6: {  	_ = 	snop  }
0x7: {  	_ = 	snop  }
__scs_overlays_trampoline_lowered:
0x8: {  	[smem:$0x3FAC] =	sst s0  }
0x9: {  	[smem:$0x3FAD] =	sst s1  }
0xa: {  	[smem:$0x3FAE] =	sst s2  }
0xb: {  	[smem:$0x3FAF] =	sst s3  }
0xc: {  	[smem:$0x3FB0] =	sst s4  }
0xd: {  	[smem:$0x3FB1] =	sst s5  }
0xe: {  	[smem:$0x3FB2] =	sst s6  }
0xf: {  	[smem:$0x3FB3] =	sst s7  }
0x10: {  	[smem:$0x3FB4] =	sst s8  }
0x11: {  	[smem:$0x3FB5] =	sst s9;
	s0 =	simm.s32 @!p0 $0x0  }
0x12: {  	s1 =	sld [smem:$0x3F9B];
	s0 =	simm.s32 @p0 $0x1  }
0x13: {  	[smem:$0x3FB6] =	sst s0;
	s0 =	simm.s32 @!p1 $0x0  }
0x14: {  	s2 =	sld [smem:$0x3F9A];
	s0 =	simm.s32 @p1 $0x1  }
0x15: {  	[smem:$0x3FB7] =	sst s0;
	s0 =	simm.s32 @!p2 $0x0  }
0x16: {  	s3 =	sld [smem:$0x3FDB];
	s0 =	simm.s32 @p2 $0x1  }
0x17: {  	s4 =	simm.s32 $0x1BF5;
	[smem:$0x3FB9] =	sst s0  }
0x18: {  	s0 =	sld [smem:$0x3F9C];
	_ =	swait.ge [sflag:s4], $0x0  }
0x19: {  	s7 =	sld [smem:$0x3F9D]  }
0x1a: {  	s8 =	sadd.s32 $0xFFFFE003, lr  }
0x1b: {  	s9 =	sadd.s32 $0xFFFFFEF7, lr;
	s5 =	simm.s32 $0xFFFFFFFF;
	p2 =	slt.u32 s8, $0xFFFFF086  }
0x1c: {  	p1 =	slt.u32 s9, $0xF7A;
	s5 =	simm.s32 @!p2 $0x0  }
0x1d: {  	s5 =	simm.s32 @p1 $0x1;
	p0 =	seq.s32 s7, s2  }
0x1e: {  	s7 =	smul.u32 @!p0 $0xF7A, s2;
	p2 =	seq.s32 @!p0 s5, $0x0  }
0x1f: {  	s9 =	smul.u32 $0xF7A, s1;
	s8 =	simm.s32 @!p0 $0x1BF5;
	p2 =	por !p2, p0  }
0x20: {  	[sflag:s8] =	ssyncset.s32 @!p0 $0xFFFFF086;
	s6 =	sadd.s32 @!p0 s3, s7;
	s7 =	simm.s32 @!p0 $0x108  }
0x21: {  	s3 =	sadd.s32 s3, s9;
	s6 =	sadd.s32 @!p0 $0x88, s6;
	s7 =	simm.s32 @p2 $0x1082  }
0x22: {  	[simem:s7], [sflag:s8] =	dma.local @!p0 [hbm:s6], $0xF7A  }
0x23: {  	s9 =	sor.u32 $0xD0000000, s2;
	s6 =	simm.s32 $0x108;
	_ =	swait.ge @!p0 [sflag:s8], $0x0  }
0x24: {  	s3 =	sadd.s32 $0x88, s3;
	s6 =	simm.s32 @!p1 $0x1082;
	[sflag:s4] =	ssyncset.s32 $0xFFFFF086  }
0x25: {  	[simem:s6], [sflag:s4] =	dma.local [hbm:s3], $0xF7A  }
0x26: {  	[smem:$0x3F9D] =	sst s1;
	(tag) =	ssettag s2;
	_ =	strace s9  }
0x27: {  	s1 =	sld [smem:$0x3FAD]  }
0x28: {  	s2 =	sld [smem:$0x3FAE]  }
0x29: {  	s4 =	sld [smem:$0x3FB0]  }
0x2a: {  	p0 =	seq.s32 s5, $0x0;
	s5 =	sld [smem:$0x3FB1]  }
0x2b: {  	s6 =	sld [smem:$0x3FB2]  }
0x2c: {  	s7 =	sld [smem:$0x3FB3]  }
0x2d: {  	s3 =	simm.s32 $0x108;
	s8 =	sld [smem:$0x3FB4]  }
0x2e: {  	s3 =	simm.s32 @!p0 $0x1082;
	s9 =	sld [smem:$0x3FB5]  }
0x2f: {  	lr =	sadd.s32 s0, s3;
	s0 =	sld [smem:$0x3FAC]  }
0x30: {  	s3 =	sld [smem:$0x3FAF]  }
0x31: {  	[smem:$0x3FB8] =	sst s10  }
0x32: {  	s10 =	sld [smem:$0x3FB6];
	_ =	sdelay $0x3  }
0x33: {  	p0 =	seq.s32 s10, $0x1;
	s10 =	sld [smem:$0x3FB8];
	_ =	sdelay $0x3  }
0x34: {  	[smem:$0x3FB8] =	sst s10  }
0x35: {  	s10 =	sld [smem:$0x3FB7];
	_ =	sdelay $0x3  }
0x36: {  	p1 =	seq.s32 s10, $0x1;
	s10 =	sld [smem:$0x3FB8];
	_ =	sdelay $0x3  }
0x37: {  	[smem:$0x3FB8] =	sst s10  }
0x38: {  	s10 =	sld [smem:$0x3FB9]  }
0x39: {  	_ = 	snop;
	(pc) =	sbr.ind lr, $3  }
0x3a: {  	_ = 	snop  }
0x3b: {  	_ = 	snop  }
0x3c: {  	p2 =	seq.s32 s10, $0x1;
	s10 =	sld [smem:$0x3FB8]  }
0x3d: {  	_ =	shalt  }
0x3e: {  	_ =	shalt  }
0x3f: {  	_ =	shalt  }
0x40: {  	_ =	shalt  }
0x41: {  	_ =	shalt  }
0x42: {  	_ =	shalt  }
0x43: {  	_ =	shalt  }
0x44: {  	_ =	shalt  }
0x45: {  	_ =	shalt  }
0x46: {  	_ =	shalt  }
0x47: {  	_ =	shalt  }
0x48: {  	_ =	shalt  }
0x49: {  	_ =	shalt  }
0x4a: {  	_ =	shalt  }
0x4b: {  	_ =	shalt  }
0x4c: {  	_ =	shalt  }
0x4d: {  	_ =	shalt  }
0x4e: {  	_ =	shalt  }
0x4f: {  	_ =	shalt  }
0x50: {  	_ =	shalt  }
0x51: {  	_ =	shalt  }
0x52: {  	_ =	shalt  }
0x53: {  	_ =	shalt  }
0x54: {  	_ =	shalt  }
0x55: {  	_ =	shalt  }
0x56: {  	_ =	shalt  }
0x57: {  	_ =	shalt  }
0x58: {  	_ =	shalt  }
0x59: {  	_ =	shalt  }
0x5a: {  	_ =	shalt  }
0x5b: {  	_ =	shalt  }
0x5c: {  	_ =	shalt  }
0x5d: {  	_ =	shalt  }
0x5e: {  	_ =	shalt  }
0x5f: {  	_ =	shalt  }
0x60: {  	_ =	shalt  }
0x61: {  	_ =	shalt  }
0x62: {  	_ =	shalt  }
0x63: {  	_ =	shalt  }
0x64: {  	_ =	shalt  }
0x65: {  	_ =	shalt  }
0x66: {  	_ =	shalt  }
0x67: {  	_ =	shalt  }
0x68: {  	_ =	shalt  }
0x69: {  	_ =	shalt  }
0x6a: {  	_ =	shalt  }
0x6b: {  	_ =	shalt  }
0x6c: {  	_ =	shalt  }
0x6d: {  	_ =	shalt  }
0x6e: {  	_ =	shalt  }
0x6f: {  	_ =	shalt  }
0x70: {  	_ =	shalt  }
0x71: {  	_ =	shalt  }
0x72: {  	_ =	shalt  }
0x73: {  	_ =	shalt  }
0x74: {  	_ =	shalt  }
0x75: {  	_ =	shalt  }
0x76: {  	_ =	shalt  }
0x77: {  	_ =	shalt  }
0x78: {  	_ =	shalt  }
0x79: {  	_ =	shalt  }
0x7a: {  	_ =	shalt  }
0x7b: {  	_ =	shalt  }
0x7c: {  	_ =	shalt  }
0x7d: {  	_ =	shalt  }
0x7e: {  	_ =	shalt  }
0x7f: {  	_ =	shalt  }
0x80: {  	_ =	shalt  }
0x81: {  	_ =	shalt  }
0x82: {  	_ =	shalt  }
0x83: {  	_ =	shalt  }
0x84: {  	_ =	shalt  }
0x85: {  	_ =	shalt  }
0x86: {  	_ =	shalt  }
0x87: {  	_ =	shalt  }
.Lfunc_end0:
.L_simem_size_0:
called_computation_lowered:
.L_overlay_start_0:
0x88: {  	s2 =	sld [smem:$0x3FD9]  }
0x89: {  	s3 =	sld [smem:$0x3FFE];
	_ =	sdelay $0x1  }
0x8a: {  	s1 =	srdreg.scid  }
0x8b: {  	s0 =	sand.u32 $0x1, s1  }
0x8c: {  	s17 =	sshll.u32 s0, $0xA;
	s2 =	sadd.s32 s3, s2  }
0x8d: {  	s2 =	sadd.s32 s2, s17  }
0x8e: {  	[smem:$0x3FC4] =	sst s2  }
0x8f: {  	_ = 	snop  }
0x90: {  	s2 =	sld [smem:$0x3FC9]  }
0x91: {  	s18 =	sld [smem:$0x3FD0];
	(tm) =	ssettm $0x1  }
0x92: {  	s4 =	sld [smem:$0x3FFB];
	_ =	sdelay $0x3  }
0x93: {  	_ =	strace s4  }
0x94: {  	s4 =	sld [smem:$0x3FFC];
	_ =	sdelay $0x3  }
0x95: {  	_ =	strace s4  }
0x96: {  	s4 =	sld [smem:$0x3FFD];
	_ =	sdelay $0x3  }
0x97: {  	_ =	strace s4  }
0x98: {  	_ =	strace $0x8FFFFFFF  }
0x99: {  	s19 =	sld [smem:$0x3FDB];
	_ =	sdelay $0x1  }
0x9a: {  	s5 =	simm.s32 $_scs_section_size  }
0x9b: {  	s6 =	simm.s32 $_size__tile_overlayer_lowered;
	s7 =	simm.s32 $_tile_overlayer_lowered  }
0x9c: {  	s22 =	simm.s32 $0x1BFF;
	s21 =	sshll.u32 s7, $0x1;
	s4 =	sadd.s32 s5, s19  }
0x9d: {  	s8 =	simm.s32 $0x0;
	s20 =	sshll.u32 s6, $0x1;
	s6 =	sadd.s32 s21, s4  }
0x9e: {  	[timem:s8], [sflag:s22] =	dma.local [hbm:s6], s20  }
0x9f: {  	_ =	swait.ge [sflag:s22], s20  }
0xa0: {  	s5 =	ssub.s32 $0x0, s20;
	[sflag:s22] =	ssyncset.done $0x0  }
0xa1: {  	[sflag:s22] =	ssyncadd.s32 s5;
	_ =	sdelay $0x1  }
0xa2: {  	s23 =	simm.s32 $0x1B8B  }
0xa3: {  	_ =	swait.ge [sflag:s23], $0x1  }
0xa4: {  	[sflag:s23] =	ssyncset.done $0x0  }
0xa5: {  	s25 =	simm.s32 $0x1B8E;
	s24 =	sld [smem:$0x3FFE];
	[sflag:s23] =	ssyncadd.s32 $0xFFFFFFFF  }
0xa6: {  	s26 =	simm.s32 $execute0_lowered;
	[smem:$0x3FD2] =	sst s25  }
0xa7: {  	s6 =	sshll.u32 s26, $0x1;
	_ =	strace $0x80000046;
	[dreg:$0x1] =	wrdreg $0xFFFFFFFF  }
0xa8: {  	s28 =	simm.s32 $_size_execute0_lowered;
	s4 =	sadd.s32 s4, s6;
	[dreg:$0x0] =	wrdreg $0x0  }
0xa9: {  	s6 =	sshll.u32 s28, $0x1;
	[dreg:$0x2] =	wrdreg s4  }
0xaa: {  	[dreg:$0x3] =	wrdreg s6  }
0xab: {  	[dreg:$0x4] =	wrdreg $0xC0  }
0xac: {  	_ =	task [dreg:s8], $0x5FFFF  }
0xad: {  	[dreg:$0x1] =	wrdreg $0xFFFFFFFF  }
0xae: {  	[dreg:$0x0] =	wrdreg $0x60  }
0xaf: {  	[dreg:$0x2] =	wrdreg s2  }
0xb0: {  	[dreg:$0x3] =	wrdreg s18  }
0xb1: {  	[dreg:$0x4] =	wrdreg s24  }
0xb2: {  	[dreg:$0x5] =	wrdreg $0x9  }
0xb3: {  	_ =	task.clear_ibuf [dreg:s8], $0x6FFFF;
	_ =	strace $0x90000046  }
0xb4: {  	s29 =	simm.s32 $0x9;
	_ =	strace $0x80000048  }
0xb5: {  	_ =	swait.ge [sflag:s29], $0x1  }
0xb6: {  	[sflag:s29] =	ssyncadd.s32 $0xFFFFFFFF  }
0xb7: {  	_ =	strace $0x90000048  }
0xb8: {  	_ =	sfence  }
0xb9: {  	s30 =	sld [smem:$0x0];
	_ =	sdelay $0x2  }
0xba: {  	s31 =	sshll.u32 s1, $0xD;
	s1 =	sshrl.u32 s1, $0x2  }
0xbb: {  	s3 =	sand.u32 $0x4000, s31;
	s1 =	sadd.s32 s1, s30  }
0xbc: {  	s0 =	sor.u32 s3, s0;
	s1 =	sshll.u32 s1, $0x11  }
0xbd: {  	s0 =	sor.u32 s1, s0  }
0xbe: {  	s0 =	sadd.s32 $0x8F2B, s0  }
0xbf: {  	[sflag:s0] =	ssyncadd.remote.s32 $0x1  }
0xc0: {  	_ =	sfence.sel $0xFFFF  }
0xc1: {  	[dreg:$0x0] =	wrdreg $0xFFFFFFFF;
	(pc) =	sbr.abs _section_cstart, $3  }
0xc2: {  	[dreg:$0x1] =	wrdreg $0xFFFFFFFF  }
0xc3: {  	_ =	task.clear_ibuf [dreg:s8], $0x2FFFF;
	_ =	strace $0x9FFFFFFF  }
0xc4: {  	(tm) =	ssettm $0x7FFFFFFF  }
0xc5: {  	_ =	shalt  }
tec
execute0_lowered:
.L_overlay_start_1:
0x0: {  	(tag) =	ssettag $0x1  }
0x1: {  	s0 =	rddreg [dreg:$0x0]  }
0x2: {  	s8 =	rddreg [dreg:$0x1]  }
0x3: {  	s2 =	rddreg [dreg:$0x2];
	s3 =	srdreg.scid  }
0x4: {  	s7 =	rddreg [dreg:$0x3];
	s1 =	stileid.u32  }
0x5: {  	s5 =	simm.s32 $0x0;
	s31 =	simm.s32 $0x40;
	s30 =	simm.s32 $0x60  }
0x6: {  	s28 =	simm.s32 $0x80;
	s16 =	simm.s32 $0x100;
	p0 =	por $0x0, $0x0  }
0x7: {  	s29 =	simm.s32 $0x200;
	s3 =	sand.u32 $0x1, s3;
	s4 =	sshll.u32 s1, $0x3  }
0x8: {  	[smem:$0x7FF] =	sst s5;
	s17 =	sadd.s32 $0x30D4, s8;
	s18 =	sadd.s32 $0x61A8, s8  }
0x9: {  	s19 =	sadd.s32 $0x927C, s8;
	s20 =	sadd.s32 $0xC350, s8;
	s21 =	sadd.s32 $0xF424, s8  }
0xa: {  	s22 =	sadd.s32 $0x124F8, s8;
	_ =	strace $0x80000047;
	[dreg:$0x5] =	wrdreg s17  }
0xb: {  	s23 =	sadd.s32 $0x155CC, s8;
	s25 =	sadd.s32 $0x186A0, s8;
	[dreg:$0x6] =	wrdreg s18  }
0xc: {  	s9 =	sadd.s32 $0x1B774, s8;
	s10 =	sadd.s32 $0x1E848, s8;
	[dreg:$0x7] =	wrdreg s19  }
0xd: {  	s11 =	sadd.s32 $0x2191C, s8;
	s12 =	sadd.s32 $0x249F0, s8;
	[dreg:$0x8] =	wrdreg s20  }
0xe: {  	s13 =	sadd.s32 $0x27AC4, s8;
	s14 =	sadd.s32 $0x2AB98, s8;
	[dreg:$0x9] =	wrdreg s21  }
0xf: {  	s6 =	sshll.u32 s3, $0x2;
	s3 =	ssub.s32 $0x2, s3;
	[dreg:$0xa] =	wrdreg s22  }
0x10: {  	[dreg:$0xb] =	wrdreg s23;
	s4 =	sor.u32 s6, s4;
	s24 =	sshrl.u32 s3, $0x1  }
0x11: {  	s0 =	sadd.s32 s0, s4;
	s2 =	sadd.s32 s4, s2;
	s4 =	ssub.s32 s3, s24  }
0x12: {  	s15 =	sadd.s32 $0x2DC6C, s8;
	[dreg:$0xc] =	wrdreg s25;
	s26 =	smax.u32 s4, $0x1  }
0x13: {  	s23 =	simm.s32 $0xA0;
	s22 =	simm.s32 $0xC0;
	p1 =	sne.s32 s26, $0x1  }
.Ltmp0:
0x14: {  	s21 =	simm.s32 $0xE0;
	s17 =	simm.s32 $0x120;
	(pc) =	sbr.rel @!p1 .LBB2_5-.Ltmp0, $4  }
0x15: {  	s18 =	simm.s32 $0x140;
	s19 =	simm.s32 $0x160;
	s20 =	simm.s32 $0x180  }
0x16: {  	s25 =	simm.s32 $0x1C0;
	s6 =	simm.s32 $0x1;
	s24 =	simm.s32 $0x1A0  }
0x17: {  	[dreg:$0x4] =	wrdreg s0;
	s3 =	sadd.s32 $0xE00, s2;
	s2 =	simm.s32 $0x2  }
0x18: {  	v0 =	vimm.f32 $1.000000000e+00;
	s4 =	simm.s32 $0x20;
	s0 =	sadd.s32 $0xFFFFFFFF, s26;
	s26 =	simm.s32 $0x1E0  }
0x19: {  	s1 =	rddreg [dreg:$0x4]  }
0x1a: {  	[tilespmem:s5], [sflag:$0x2] =	stream.linear.gather [hbm4b:s1+s5], $0x20, $0x38;
	[tilespmem:$0x240] =	vst v63  }
0x1b: {  	_ =	swait.ge [sflag:s2], $0x20  }
0x1c: {  	[sflag:s2] =	ssyncset.done $0x0  }
0x1d: {  	[sflag:s2] =	ssyncadd.s32 $0xFFFFFFE0  }
0x1e: {  	[tilespmem:s4], [sflag:$0x1] =	stream.indirect.gather [hbm4b:s8+s4], $0x1, s5, s4, $0xb8;
	[tilespmem:$0x240] =	vst v63  }
0x1f: {  	s1 =	rddreg [dreg:$0x5]  }
0x20: {  	[tilespmem:s31], [sflag:$0x1] =	stream.indirect.gather [hbm4b:s1+s4], $0x1, s5, s4, $0xb8;
	[tilespmem:$0x240] =	vst v63  }
0x21: {  	s7 =	smov.u32 s0;
	s0 =	rddreg [dreg:$0x6]  }
0x22: {  	[tilespmem:s30], [sflag:$0x1] =	stream.indirect.gather [hbm4b:s0+s4], $0x1, s5, s4, $0xb8;
	[tilespmem:$0x240] =	vst v63  }
0x23: {  	s1 =	rddreg [dreg:$0x7]  }
0x24: {  	[tilespmem:s28], [sflag:$0x1] =	stream.indirect.gather [hbm4b:s1+s4], $0x1, s5, s4, $0xb8;
	[tilespmem:$0x240] =	vst v63  }
0x25: {  	s0 =	rddreg [dreg:$0x8]  }
0x26: {  	[tilespmem:s23], [sflag:$0x1] =	stream.indirect.gather [hbm4b:s0+s4], $0x1, s5, s4, $0xb8;
	[tilespmem:$0x240] =	vst v63  }
0x27: {  	s1 =	rddreg [dreg:$0x9]  }
0x28: {  	[tilespmem:s22], [sflag:$0x1] =	stream.indirect.gather [hbm4b:s1+s4], $0x1, s5, s4, $0xb8;
	[tilespmem:$0x240] =	vst v63  }
0x29: {  	s0 =	rddreg [dreg:$0xa]  }
0x2a: {  	[tilespmem:s21], [sflag:$0x1] =	stream.indirect.gather [hbm4b:s0+s4], $0x1, s5, s4, $0xb8;
	[tilespmem:$0x240] =	vst v63  }
0x2b: {  	s1 =	rddreg [dreg:$0xb]  }
0x2c: {  	[tilespmem:s16], [sflag:$0x1] =	stream.indirect.gather [hbm4b:s1+s4], $0x1, s5, s4, $0xb8;
	[tilespmem:$0x240] =	vst v63  }
0x2d: {  	s0 =	rddreg [dreg:$0xc]  }
0x2e: {  	[tilespmem:s17], [sflag:$0x1] =	stream.indirect.gather [hbm4b:s0+s4], $0x1, s5, s4, $0xb8;
	[tilespmem:$0x240] =	vst v63  }
0x2f: {  	_ = 	snop  }
0x30: {  	[tilespmem:s18], [sflag:$0x1] =	stream.indirect.gather [hbm4b:s9+s4], $0x1, s5, s4, $0xb8;
	[tilespmem:$0x240] =	vst v63  }
0x31: {  	_ = 	snop  }
0x32: {  	[tilespmem:s19], [sflag:$0x1] =	stream.indirect.gather [hbm4b:s10+s4], $0x1, s5, s4, $0xb8;
	[tilespmem:$0x240] =	vst v63  }
0x33: {  	_ = 	snop  }
0x34: {  	[tilespmem:s20], [sflag:$0x1] =	stream.indirect.gather [hbm4b:s11+s4], $0x1, s5, s4, $0xb8;
	[tilespmem:$0x240] =	vst v63  }
0x35: {  	_ = 	snop  }
0x36: {  	[tilespmem:s24], [sflag:$0x1] =	stream.indirect.gather [hbm4b:s12+s4], $0x1, s5, s4, $0xb8;
	[tilespmem:$0x240] =	vst v63  }
0x37: {  	_ = 	snop  }
0x38: {  	[tilespmem:s25], [sflag:$0x1] =	stream.indirect.gather [hbm4b:s13+s4], $0x1, s5, s4, $0xb8;
	[tilespmem:$0x240] =	vst v63  }
0x39: {  	_ = 	snop  }
0x3a: {  	[tilespmem:s26], [sflag:$0x1] =	stream.indirect.gather [hbm4b:s14+s4], $0x1, s5, s4, $0xb8;
	[tilespmem:$0x240] =	vst v63  }
0x3b: {  	_ = 	snop  }
0x3c: {  	[tilespmem:s29], [sflag:$0x1] =	stream.indirect.gather [hbm4b:s15+s4], $0x1, s5, s4, $0xb8;
	[tilespmem:$0x240] =	vst v63  }
0x3d: {  	[tilespmem:$0x220] =	vst v0  }
0x3e: {  	[tilespmem:$0x230] =	vst v0  }
0x3f: {  	_ =	swait.ge [sflag:s6], $0x20  }
0x40: {  	[sflag:s6] =	ssyncset.done $0x0  }
0x41: {  	[sflag:s6] =	ssyncadd.s32 $0xFFFFFFE0  }
0x42: {  	_ =	swait.ge [sflag:s6], $0x20  }
0x43: {  	[sflag:s6] =	ssyncset.done $0x0  }
0x44: {  	[sflag:s6] =	ssyncadd.s32 $0xFFFFFFE0  }
0x45: {  	_ =	swait.ge [sflag:s6], $0x20  }
0x46: {  	[sflag:s6] =	ssyncset.done $0x0  }
0x47: {  	[sflag:s6] =	ssyncadd.s32 $0xFFFFFFE0  }
0x48: {  	_ =	swait.ge [sflag:s6], $0x20  }
0x49: {  	[sflag:s6] =	ssyncset.done $0x0  }
0x4a: {  	[sflag:s6] =	ssyncadd.s32 $0xFFFFFFE0  }
0x4b: {  	_ =	swait.ge [sflag:s6], $0x20  }
0x4c: {  	[sflag:s6] =	ssyncset.done $0x0  }
0x4d: {  	[sflag:s6] =	ssyncadd.s32 $0xFFFFFFE0  }
0x4e: {  	_ =	swait.ge [sflag:s6], $0x20  }
0x4f: {  	[sflag:s6] =	ssyncset.done $0x0  }
0x50: {  	[sflag:s6] =	ssyncadd.s32 $0xFFFFFFE0  }
0x51: {  	_ =	swait.ge [sflag:s6], $0x20  }
0x52: {  	[sflag:s6] =	ssyncset.done $0x0  }
0x53: {  	[sflag:s6] =	ssyncadd.s32 $0xFFFFFFE0  }
0x54: {  	_ =	swait.ge [sflag:s6], $0x20  }
0x55: {  	[sflag:s6] =	ssyncset.done $0x0  }
0x56: {  	[sflag:s6] =	ssyncadd.s32 $0xFFFFFFE0  }
0x57: {  	_ =	swait.ge [sflag:s6], $0x20  }
0x58: {  	[sflag:s6] =	ssyncset.done $0x0  }
0x59: {  	[sflag:s6] =	ssyncadd.s32 $0xFFFFFFE0  }
0x5a: {  	_ =	swait.ge [sflag:s6], $0x20  }
0x5b: {  	[sflag:s6] =	ssyncset.done $0x0  }
0x5c: {  	[sflag:s6] =	ssyncadd.s32 $0xFFFFFFE0  }
0x5d: {  	_ =	swait.ge [sflag:s6], $0x20  }
0x5e: {  	[sflag:s6] =	ssyncset.done $0x0  }
0x5f: {  	[sflag:s6] =	ssyncadd.s32 $0xFFFFFFE0  }
0x60: {  	_ =	swait.ge [sflag:s6], $0x20  }
0x61: {  	[sflag:s6] =	ssyncset.done $0x0  }
0x62: {  	[sflag:s6] =	ssyncadd.s32 $0xFFFFFFE0  }
0x63: {  	_ =	swait.ge [sflag:s6], $0x20  }
0x64: {  	[sflag:s6] =	ssyncset.done $0x0  }
0x65: {  	[sflag:s6] =	ssyncadd.s32 $0xFFFFFFE0  }
0x66: {  	_ =	swait.ge [sflag:s6], $0x20  }
0x67: {  	[sflag:s6] =	ssyncset.done $0x0  }
0x68: {  	[sflag:s6] =	ssyncadd.s32 $0xFFFFFFE0  }
0x69: {  	_ =	swait.ge [sflag:s6], $0x20  }
0x6a: {  	[sflag:s6] =	ssyncset.done $0x0  }
0x6b: {  	p1 =	sne.s32 s7, $0x1;
	[sflag:s6] =	ssyncadd.s32 $0xFFFFFFE0  }
.Ltmp1:
0x6c: {  	_ =	swait.ge [sflag:s6], $0x20;
	(pc) =	sbr.rel @!p1 .LBB2_2-.Ltmp1, $4  }
0x6d: {  	[sflag:s6] =	ssyncset.done $0x0  }
0x6e: {  	s1 =	simm.s32 $0x400;
	[sflag:s6] =	ssyncadd.s32 $0xFFFFFFE0  }
0x6f: {  	[hbm4b:s3+s4] =	stream.strided.scatter [tilespmem:s4], [sflag:$0x2], $0x220, s1, s4, $0x38;
	[tilespmem:$0x240] =	vst v63  }
0x70: {  	p0 =	por $0x1, $0x1;
	s0 =	sadd.s32 $0xFFFFFFFF, s7;
	_ =	swait.ge [sflag:s2], $0x220  }
.LBB2_3:
0x71: {  	[sflag:s2] =	ssyncset.done $0x0  }
0x72: {  	s1 =	rddreg [dreg:$0x4];
	[sflag:s2] =	ssyncadd.s32 $0xFFFFFDE0  }
0x73: {  	[tilespmem:s5], [sflag:$0x2] =	stream.linear.gather [hbm4b:s1+s5], $0x20, $0x38;
	[tilespmem:$0x240] =	vst v63  }
0x74: {  	_ =	swait.ge [sflag:s2], $0x20  }
0x75: {  	[sflag:s2] =	ssyncset.done $0x0  }
0x76: {  	[sflag:s2] =	ssyncadd.s32 $0xFFFFFFE0  }
0x77: {  	[tilespmem:s4], [sflag:$0x1] =	stream.indirect.gather [hbm4b:s8+s4], $0x1, s5, s4, $0xb8;
	[tilespmem:$0x240] =	vst v63  }
0x78: {  	s1 =	rddreg [dreg:$0x5]  }
0x79: {  	[tilespmem:s31], [sflag:$0x1] =	stream.indirect.gather [hbm4b:s1+s4], $0x1, s5, s4, $0xb8;
	[tilespmem:$0x240] =	vst v63  }
0x7a: {  	s7 =	rddreg [dreg:$0x6]  }
0x7b: {  	[tilespmem:s30], [sflag:$0x1] =	stream.indirect.gather [hbm4b:s7+s4], $0x1, s5, s4, $0xb8;
	[tilespmem:$0x240] =	vst v63  }
0x7c: {  	s1 =	rddreg [dreg:$0x7]  }
0x7d: {  	[tilespmem:s28], [sflag:$0x1] =	stream.indirect.gather [hbm4b:s1+s4], $0x1, s5, s4, $0xb8;
	[tilespmem:$0x240] =	vst v63  }
0x7e: {  	s7 =	rddreg [dreg:$0x8]  }
0x7f: {  	[tilespmem:s23], [sflag:$0x1] =	stream.indirect.gather [hbm4b:s7+s4], $0x1, s5, s4, $0xb8;
	[tilespmem:$0x240] =	vst v63  }
0x80: {  	s1 =	rddreg [dreg:$0x9]  }
0x81: {  	[tilespmem:s22], [sflag:$0x1] =	stream.indirect.gather [hbm4b:s1+s4], $0x1, s5, s4, $0xb8;
	[tilespmem:$0x240] =	vst v63  }
0x82: {  	s7 =	rddreg [dreg:$0xa]  }
0x83: {  	[tilespmem:s21], [sflag:$0x1] =	stream.indirect.gather [hbm4b:s7+s4], $0x1, s5, s4, $0xb8;
	[tilespmem:$0x240] =	vst v63  }
0x84: {  	s1 =	rddreg [dreg:$0xb]  }
0x85: {  	[tilespmem:s16], [sflag:$0x1] =	stream.indirect.gather [hbm4b:s1+s4], $0x1, s5, s4, $0xb8;
	[tilespmem:$0x240] =	vst v63  }
0x86: {  	s7 =	rddreg [dreg:$0xc]  }
0x87: {  	[tilespmem:s17], [sflag:$0x1] =	stream.indirect.gather [hbm4b:s7+s4], $0x1, s5, s4, $0xb8;
	[tilespmem:$0x240] =	vst v63  }
0x88: {  	_ = 	snop  }
0x89: {  	[tilespmem:s18], [sflag:$0x1] =	stream.indirect.gather [hbm4b:s9+s4], $0x1, s5, s4, $0xb8;
	[tilespmem:$0x240] =	vst v63  }
0x8a: {  	_ = 	snop  }
0x8b: {  	[tilespmem:s19], [sflag:$0x1] =	stream.indirect.gather [hbm4b:s10+s4], $0x1, s5, s4, $0xb8;
	[tilespmem:$0x240] =	vst v63  }
0x8c: {  	_ = 	snop  }
0x8d: {  	[tilespmem:s20], [sflag:$0x1] =	stream.indirect.gather [hbm4b:s11+s4], $0x1, s5, s4, $0xb8;
	[tilespmem:$0x240] =	vst v63  }
0x8e: {  	_ = 	snop  }
0x8f: {  	[tilespmem:s24], [sflag:$0x1] =	stream.indirect.gather [hbm4b:s12+s4], $0x1, s5, s4, $0xb8;
	[tilespmem:$0x240] =	vst v63  }
0x90: {  	_ = 	snop  }
0x91: {  	[tilespmem:s25], [sflag:$0x1] =	stream.indirect.gather [hbm4b:s13+s4], $0x1, s5, s4, $0xb8;
	[tilespmem:$0x240] =	vst v63  }
0x92: {  	_ = 	snop  }
0x93: {  	[tilespmem:s26], [sflag:$0x1] =	stream.indirect.gather [hbm4b:s14+s4], $0x1, s5, s4, $0xb8;
	[tilespmem:$0x240] =	vst v63  }
0x94: {  	_ = 	snop  }
0x95: {  	[tilespmem:s29], [sflag:$0x1] =	stream.indirect.gather [hbm4b:s15+s4], $0x1, s5, s4, $0xb8;
	[tilespmem:$0x240] =	vst v63  }
0x96: {  	[tilespmem:$0x220] =	vst v0  }
0x97: {  	[tilespmem:$0x230] =	vst v0  }
0x98: {  	_ =	swait.ge [sflag:s6], $0x20  }
0x99: {  	[sflag:s6] =	ssyncset.done $0x0  }
0x9a: {  	[sflag:s6] =	ssyncadd.s32 $0xFFFFFFE0  }
0x9b: {  	_ =	swait.ge [sflag:s6], $0x20  }
0x9c: {  	[sflag:s6] =	ssyncset.done $0x0  }
0x9d: {  	[sflag:s6] =	ssyncadd.s32 $0xFFFFFFE0  }
0x9e: {  	_ =	swait.ge [sflag:s6], $0x20  }
0x9f: {  	[sflag:s6] =	ssyncset.done $0x0  }
0xa0: {  	[sflag:s6] =	ssyncadd.s32 $0xFFFFFFE0  }
0xa1: {  	_ =	swait.ge [sflag:s6], $0x20  }
0xa2: {  	[sflag:s6] =	ssyncset.done $0x0  }
0xa3: {  	[sflag:s6] =	ssyncadd.s32 $0xFFFFFFE0  }
0xa4: {  	_ =	swait.ge [sflag:s6], $0x20  }
0xa5: {  	[sflag:s6] =	ssyncset.done $0x0  }
0xa6: {  	[sflag:s6] =	ssyncadd.s32 $0xFFFFFFE0  }
0xa7: {  	_ =	swait.ge [sflag:s6], $0x20  }
0xa8: {  	[sflag:s6] =	ssyncset.done $0x0  }
0xa9: {  	[sflag:s6] =	ssyncadd.s32 $0xFFFFFFE0  }
0xaa: {  	_ =	swait.ge [sflag:s6], $0x20  }
0xab: {  	[sflag:s6] =	ssyncset.done $0x0  }
0xac: {  	[sflag:s6] =	ssyncadd.s32 $0xFFFFFFE0  }
0xad: {  	_ =	swait.ge [sflag:s6], $0x20  }
0xae: {  	[sflag:s6] =	ssyncset.done $0x0  }
0xaf: {  	[sflag:s6] =	ssyncadd.s32 $0xFFFFFFE0  }
0xb0: {  	_ =	swait.ge [sflag:s6], $0x20  }
0xb1: {  	[sflag:s6] =	ssyncset.done $0x0  }
0xb2: {  	[sflag:s6] =	ssyncadd.s32 $0xFFFFFFE0  }
0xb3: {  	_ =	swait.ge [sflag:s6], $0x20  }
0xb4: {  	[sflag:s6] =	ssyncset.done $0x0  }
0xb5: {  	[sflag:s6] =	ssyncadd.s32 $0xFFFFFFE0  }
0xb6: {  	_ =	swait.ge [sflag:s6], $0x20  }
0xb7: {  	[sflag:s6] =	ssyncset.done $0x0  }
0xb8: {  	[sflag:s6] =	ssyncadd.s32 $0xFFFFFFE0  }
0xb9: {  	_ =	swait.ge [sflag:s6], $0x20  }
0xba: {  	[sflag:s6] =	ssyncset.done $0x0  }
0xbb: {  	[sflag:s6] =	ssyncadd.s32 $0xFFFFFFE0  }
0xbc: {  	_ =	swait.ge [sflag:s6], $0x20  }
0xbd: {  	[sflag:s6] =	ssyncset.done $0x0  }
0xbe: {  	[sflag:s6] =	ssyncadd.s32 $0xFFFFFFE0  }
0xbf: {  	_ =	swait.ge [sflag:s6], $0x20  }
0xc0: {  	[sflag:s6] =	ssyncset.done $0x0  }
0xc1: {  	[sflag:s6] =	ssyncadd.s32 $0xFFFFFFE0  }
0xc2: {  	_ =	swait.ge [sflag:s6], $0x20  }
0xc3: {  	[sflag:s6] =	ssyncset.done $0x0  }
0xc4: {  	p1 =	sne.s32 s0, $0x1;
	[sflag:s6] =	ssyncadd.s32 $0xFFFFFFE0  }
.Ltmp2:
0xc5: {  	_ =	swait.ge [sflag:s6], $0x20;
	(pc) =	sbr.rel @p1 .LBB2_3-.Ltmp2, $4  }
0xc6: {  	[sflag:s6] =	ssyncset.done $0x0  }
0xc7: {  	s7 =	simm.s32 $0x400;
	[sflag:s6] =	ssyncadd.s32 $0xFFFFFFE0  }
0xc8: {  	[hbm4b:s3+s4] =	stream.strided.scatter [tilespmem:s4], [sflag:$0x2], $0x220, s7, s4, $0x38;
	[tilespmem:$0x240] =	vst v63  }
0xc9: {  	s0 =	sadd.s32 $0xFFFFFFFF, s0;
	_ =	swait.ge [sflag:s2], $0x220  }
0xca: {  	s7 =	rddreg [dreg:$0x3]  }
.LBB2_5:
0xcb: {  	[sflag:s2] =	ssyncset.done @p0 $0x0  }
0xcc: {  	s0 =	rddreg [dreg:$0x4];
	[sflag:s2] =	ssyncadd.s32 @p0 $0xFFFFFDE0  }
0xcd: {  	[tilespmem:s5], [sflag:$0x2] =	stream.linear.gather [hbm4b:s0+s5], $0x20, $0x38;
	[tilespmem:$0x240] =	vst v63  }
0xce: {  	_ =	swait.ge [sflag:s2], $0x20  }
0xcf: {  	[sflag:s2] =	ssyncset.done $0x0  }
0xd0: {  	[sflag:s2] =	ssyncadd.s32 $0xFFFFFFE0  }
0xd1: {  	[tilespmem:s4], [sflag:$0x1] =	stream.indirect.gather [hbm4b:s8+s4], $0x1, s5, s4, $0xb8;
	[tilespmem:$0x240] =	vst v63  }
0xd2: {  	s0 =	rddreg [dreg:$0x5]  }
0xd3: {  	[tilespmem:s31], [sflag:$0x1] =	stream.indirect.gather [hbm4b:s0+s4], $0x1, s5, s4, $0xb8;
	[tilespmem:$0x240] =	vst v63  }
0xd4: {  	s1 =	rddreg [dreg:$0x6]  }
0xd5: {  	[tilespmem:s30], [sflag:$0x1] =	stream.indirect.gather [hbm4b:s1+s4], $0x1, s5, s4, $0xb8;
	[tilespmem:$0x240] =	vst v63  }
0xd6: {  	s8 =	rddreg [dreg:$0x7]  }
0xd7: {  	[tilespmem:s28], [sflag:$0x1] =	stream.indirect.gather [hbm4b:s8+s4], $0x1, s5, s4, $0xb8;
	[tilespmem:$0x240] =	vst v63  }
0xd8: {  	s30 =	rddreg [dreg:$0x8]  }
0xd9: {  	[tilespmem:s23], [sflag:$0x1] =	stream.indirect.gather [hbm4b:s30+s4], $0x1, s5, s4, $0xb8;
	[tilespmem:$0x240] =	vst v63  }
0xda: {  	s31 =	rddreg [dreg:$0x9]  }
0xdb: {  	[tilespmem:s22], [sflag:$0x1] =	stream.indirect.gather [hbm4b:s31+s4], $0x1, s5, s4, $0xb8;
	[tilespmem:$0x240] =	vst v63  }
0xdc: {  	s8 =	rddreg [dreg:$0xa]  }
0xdd: {  	[tilespmem:s21], [sflag:$0x1] =	stream.indirect.gather [hbm4b:s8+s4], $0x1, s5, s4, $0xb8;
	[tilespmem:$0x240] =	vst v63  }
0xde: {  	s23 =	rddreg [dreg:$0xb]  }
0xdf: {  	[tilespmem:s16], [sflag:$0x1] =	stream.indirect.gather [hbm4b:s23+s4], $0x1, s5, s4, $0xb8;
	[tilespmem:$0x240] =	vst v63  }
0xe0: {  	s28 =	rddreg [dreg:$0xc]  }
0xe1: {  	[tilespmem:s17], [sflag:$0x1] =	stream.indirect.gather [hbm4b:s28+s4], $0x1, s5, s4, $0xb8;
	[tilespmem:$0x240] =	vst v63  }
0xe2: {  	_ = 	snop  }
0xe3: {  	[tilespmem:s18], [sflag:$0x1] =	stream.indirect.gather [hbm4b:s9+s4], $0x1, s5, s4, $0xb8;
	[tilespmem:$0x240] =	vst v63  }
0xe4: {  	_ = 	snop  }
0xe5: {  	[tilespmem:s19], [sflag:$0x1] =	stream.indirect.gather [hbm4b:s10+s4], $0x1, s5, s4, $0xb8;
	[tilespmem:$0x240] =	vst v63  }
0xe6: {  	_ = 	snop  }
0xe7: {  	[tilespmem:s20], [sflag:$0x1] =	stream.indirect.gather [hbm4b:s11+s4], $0x1, s5, s4, $0xb8;
	[tilespmem:$0x240] =	vst v63  }
0xe8: {  	_ = 	snop  }
0xe9: {  	[tilespmem:s24], [sflag:$0x1] =	stream.indirect.gather [hbm4b:s12+s4], $0x1, s5, s4, $0xb8;
	[tilespmem:$0x240] =	vst v63  }
0xea: {  	_ = 	snop  }
0xeb: {  	[tilespmem:s25], [sflag:$0x1] =	stream.indirect.gather [hbm4b:s13+s4], $0x1, s5, s4, $0xb8;
	[tilespmem:$0x240] =	vst v63  }
0xec: {  	_ = 	snop  }
0xed: {  	[tilespmem:s26], [sflag:$0x1] =	stream.indirect.gather [hbm4b:s14+s4], $0x1, s5, s4, $0xb8;
	[tilespmem:$0x240] =	vst v63  }
0xee: {  	_ = 	snop  }
0xef: {  	[tilespmem:s29], [sflag:$0x1] =	stream.indirect.gather [hbm4b:s15+s4], $0x1, s5, s4, $0xb8;
	[tilespmem:$0x240] =	vst v63  }
0xf0: {  	[tilespmem:$0x220] =	vst v0  }
0xf1: {  	[tilespmem:$0x230] =	vst v0  }
0xf2: {  	_ =	swait.ge [sflag:s6], $0x20  }
0xf3: {  	[sflag:s6] =	ssyncset.done $0x0  }
0xf4: {  	[sflag:s6] =	ssyncadd.s32 $0xFFFFFFE0  }
0xf5: {  	_ =	swait.ge [sflag:s6], $0x20  }
0xf6: {  	[sflag:s6] =	ssyncset.done $0x0  }
0xf7: {  	[sflag:s6] =	ssyncadd.s32 $0xFFFFFFE0  }
0xf8: {  	_ =	swait.ge [sflag:s6], $0x20  }
0xf9: {  	[sflag:s6] =	ssyncset.done $0x0  }
0xfa: {  	[sflag:s6] =	ssyncadd.s32 $0xFFFFFFE0  }
0xfb: {  	_ =	swait.ge [sflag:s6], $0x20  }
0xfc: {  	[sflag:s6] =	ssyncset.done $0x0  }
0xfd: {  	[sflag:s6] =	ssyncadd.s32 $0xFFFFFFE0  }
0xfe: {  	_ =	swait.ge [sflag:s6], $0x20  }
0xff: {  	[sflag:s6] =	ssyncset.done $0x0  }
0x100: {  	[sflag:s6] =	ssyncadd.s32 $0xFFFFFFE0  }
0x101: {  	_ =	swait.ge [sflag:s6], $0x20  }
0x102: {  	[sflag:s6] =	ssyncset.done $0x0  }
0x103: {  	[sflag:s6] =	ssyncadd.s32 $0xFFFFFFE0  }
0x104: {  	_ =	swait.ge [sflag:s6], $0x20  }
0x105: {  	[sflag:s6] =	ssyncset.done $0x0  }
0x106: {  	[sflag:s6] =	ssyncadd.s32 $0xFFFFFFE0  }
0x107: {  	_ =	swait.ge [sflag:s6], $0x20  }
0x108: {  	[sflag:s6] =	ssyncset.done $0x0  }
0x109: {  	[sflag:s6] =	ssyncadd.s32 $0xFFFFFFE0  }
0x10a: {  	_ =	swait.ge [sflag:s6], $0x20  }
0x10b: {  	[sflag:s6] =	ssyncset.done $0x0  }
0x10c: {  	[sflag:s6] =	ssyncadd.s32 $0xFFFFFFE0  }
0x10d: {  	_ =	swait.ge [sflag:s6], $0x20  }
0x10e: {  	[sflag:s6] =	ssyncset.done $0x0  }
0x10f: {  	[sflag:s6] =	ssyncadd.s32 $0xFFFFFFE0  }
0x110: {  	_ =	swait.ge [sflag:s6], $0x20  }
0x111: {  	[sflag:s6] =	ssyncset.done $0x0  }
0x112: {  	[sflag:s6] =	ssyncadd.s32 $0xFFFFFFE0  }
0x113: {  	_ =	swait.ge [sflag:s6], $0x20  }
0x114: {  	[sflag:s6] =	ssyncset.done $0x0  }
0x115: {  	[sflag:s6] =	ssyncadd.s32 $0xFFFFFFE0  }
0x116: {  	_ =	swait.ge [sflag:s6], $0x20  }
0x117: {  	[sflag:s6] =	ssyncset.done $0x0  }
0x118: {  	[sflag:s6] =	ssyncadd.s32 $0xFFFFFFE0  }
0x119: {  	_ =	swait.ge [sflag:s6], $0x20  }
0x11a: {  	[sflag:s6] =	ssyncset.done $0x0  }
0x11b: {  	[sflag:s6] =	ssyncadd.s32 $0xFFFFFFE0  }
0x11c: {  	_ =	swait.ge [sflag:s6], $0x20  }
0x11d: {  	[sflag:s6] =	ssyncset.done $0x0  }
0x11e: {  	[sflag:s6] =	ssyncadd.s32 $0xFFFFFFE0  }
0x11f: {  	_ =	swait.ge [sflag:s6], $0x20  }
0x120: {  	[sflag:s6] =	ssyncset.done $0x0  }
0x121: {  	s30 =	simm.s32 $0x400;
	[sflag:s6] =	ssyncadd.s32 $0xFFFFFFE0  }
0x122: {  	[hbm4b:s3+s4] =	stream.strided.scatter [tilespmem:s4], [sflag:$0x2], $0x220, s30, s4, $0x38;
	[tilespmem:$0x240] =	vst v63  }
0x123: {  	_ =	swait.ge [sflag:s2], $0x220  }
0x124: {  	[sflag:s2] =	ssyncset.done $0x0  }
0x125: {  	[sflag:s2] =	ssyncadd.s32 $0xFFFFFDE0  }
0x126: {  	_ =	sfence.sel $0x180000  }
0x127: {  	s31 =	stileid.u32;
	[bflag:$0x0] =	sbarrier.arrive $0xFFFF  }
0x128: {  	p0 =	sne.s32 s31, $0x0;
	_ =	strace $0x90000047  }
0x129: {  	s0 =	sadd.s32 @!p0 $0x100000, s7;
	[bflag:$0x2] =	sbarrier.arrive $0xFFFF  }
0x12a: {  	[sflag:s0] =	ssyncadd.tile.s32 @!p0 $0x1;
	_ =	shalt  }
.LBB2_2:
.Ltmp3:
0x12b: {  	(pc) =	sbr.rel .LBB2_5-.Ltmp3, $2  }
0x12c: {  	_ =	sdelay $0x2  }
0x12d: {  	s7 =	rddreg [dreg:$0x3]  }
.Lfunc_end2:
_tile_overlayer_lowered:
.L_overlay_start_2:
0x12e: {  	(tag) =	ssettag $0x2  }
0x12f: {  	s0 =	rddreg [dreg:$0x0];
	s2 =	stileid.u32  }
0x130: {  	s1 =	rddreg [dreg:$0x1];
	p0 =	sne.s32 s2, $0x0  }
0x131: {  	s3 =	rddreg [dreg:$0x2];
	[bflag:$0x3] =	sbarrier.arrive $0xFFFF;
	s2 =	simm.s32 @!p0 $0x1C02  }
0x132: {  	[timem:s3], [sflag:s2] =	dma.local @!p0 [hbm:s0], s1  }
0x133: {  	s0 =	simm.s32 @!p0 $0x2  }
0x134: {  	_ =	swait.ge @!p0 [sflag:s0], s1  }
0x135: {  	s1 =	ssub.s32 @!p0 $0x0, s1;
	[sflag:s0] =	ssyncset.done @!p0 $0x0  }
0x136: {  	[sflag:s0] =	ssyncadd.s32 @!p0 s1  }
0x137: {  	[bflag:$0x3] =	sbarrier.arrive $0xFFFF  }
0x138: {  	_ =	shalt  }

</sc_bundles>
